<compile_context>
chip_gen: v7x
topology: tpu7x:2x2x1
jax: 0.10.2.dev20260603
libtpu: 0.0.44.dev20260713+nightly
codegen_flags: <defaults>
</compile_context>

<pallas_src>
import functools

import jax
import jax.numpy as jnp
from jax import lax
from jax.experimental import pallas as pl
from jax.experimental.pallas import tpu as pltpu
from jax.experimental.pallas import tpu_sc as plsc

LANES = 16
NC = 2
NS = 16
NW = NC * NS


@functools.partial(jax.jit, static_argnums=(3, 4, 5))
def _embed_add(x, token_table, pe, S, D, B):
    CP = 32
    pos_per_w = S // NW
    n_p = pos_per_w // CP
    n_steps = n_p * B
    mesh = plsc.VectorSubcoreMesh(core_axis_name="c", subcore_axis_name="s")

    @functools.partial(
        pl.kernel,
        mesh=mesh,
        out_type=jax.ShapeDtypeStruct((B, S, D), jnp.float32),
        scratch_types=[
            pltpu.VMEM((B, pos_per_w), jnp.int32),
            pltpu.VMEM((2 * CP, D), jnp.float32),
            pltpu.VMEM((2 * CP, D), jnp.float32),
            pltpu.SemaphoreType.DMA,
            pltpu.SemaphoreType.DMA((2,)),
            pltpu.SemaphoreType.DMA((2,)),
            pltpu.SemaphoreType.DMA((2,)),
        ],
    )
    def k(x_hbm, table_hbm, pe_hbm, out_hbm,
          idx_v, rowsb, peb, isem, gsem, psem, ssem):
        wid = lax.axis_index("s") * NC + lax.axis_index("c")
        wpos = wid * pos_per_w

        pltpu.async_copy(x_hbm.at[:, pl.ds(wpos, pos_per_w)], idx_v,
                         isem).wait()

        def start_gather(g):
            p = g >> 2
            b = g & 3
            buf = g & 1
            idx_sl = idx_v.at[b, pl.ds(p * CP, CP)]
            pltpu.async_copy(table_hbm.at[idx_sl],
                             rowsb.at[pl.ds(buf * CP, CP)], gsem.at[buf])

        def start_pe(p):
            pb = p & 1
            pltpu.async_copy(pe_hbm.at[pl.ds(wpos + p * CP, CP)],
                             peb.at[pl.ds(pb * CP, CP)], psem.at[pb])

        def drain(sem_entry):
            pltpu.make_async_copy(pe_hbm.at[pl.ds(0, CP)],
                                  rowsb.at[pl.ds(0, CP)], sem_entry).wait()

        start_pe(0)
        start_gather(0)

        def body(g, carry):
            p = g >> 2
            b = g & 3
            buf = g & 1
            pb = p & 1

            @pl.when(g >= 1)
            def _():
                drain(ssem.at[(g + 1) & 1])

            @pl.when(g < n_steps - 1)
            def _():
                start_gather(g + 1)

            @pl.when(jnp.logical_and(b == 3, g < n_steps - 1))
            def _():
                start_pe(p + 1)

            drain(gsem.at[buf])

            @pl.when(b == 0)
            def _():
                drain(psem.at[pb])

            rbase = buf * CP
            pbase = pb * CP

            @plsc.parallel_loop(0, CP, unroll=2)
            def add_row(r):
                for v in range(D // LANES):
                    sl = pl.ds(v * LANES, LANES)
                    plsc.addupdate(rowsb.at[rbase + r, sl],
                                   peb[pbase + r, sl])

            pltpu.async_copy(rowsb.at[pl.ds(rbase, CP)],
                             out_hbm.at[b, pl.ds(wpos + p * CP, CP)],
                             ssem.at[buf])
            return carry

        lax.fori_loop(0, n_steps, body, 0)
        drain(ssem.at[(n_steps - 1) & 1])

    return k(x, token_table, pe)


def kernel(x, token_table, pe):
    B, S = x.shape
    D = token_table.shape[1]
    return _embed_add(x.astype(jnp.int32), token_table, pe, S, D, B)

# --- scband reference (transcript-rebuilt; emitter-appended) ---
"""Pipeline reference for scband-transformer-embedding-14894946582888 (READ-ONLY COPY).

The authoritative reference and input builder live on the scoring server;
editing this copy changes nothing except your own understanding.
"""

import jax, jax.numpy as jnp
import numpy as np

VOCAB = 100000
D_MODEL = 768
MAX_LEN = 4096
B = 4
S = 4096


def _sinusoidal_pe(max_len, d_model):
    pos = np.arange(max_len, dtype=np.float32)[:, None]
    i = np.arange(0, d_model, 2, dtype=np.float32)
    div = np.exp(-np.log(10000.0) * i / d_model)
    pe = np.zeros((max_len, d_model), dtype=np.float32)
    pe[:, 0::2] = np.sin(pos * div)
    pe[:, 1::2] = np.cos(pos * div)
    return jnp.asarray(pe)


def setup_inputs(seed: int = 0) -> dict:
    key = jax.random.key(seed)
    k_idx, k_tab = jax.random.split(key)
    x = jax.random.randint(k_idx, (B, S), 0, VOCAB, dtype=jnp.int64) if jax.config.jax_enable_x64 else jax.random.randint(k_idx, (B, S), 0, VOCAB, dtype=jnp.int32)
    token_table = jax.random.normal(k_tab, (VOCAB, D_MODEL), dtype=jnp.float32) * 0.02
    pe = _sinusoidal_pe(MAX_LEN, D_MODEL)
    return {"x": x, "token_table": token_table, "pe": pe}


def reference(x, token_table, pe):
    # TokenEmbedding: plain embedding lookup (gather)
    tok = jnp.take(token_table, x, axis=0)  # [B, S, D]
    # SinusoidalPositionalEmbedding1d: fixed buffer sliced to seq_len, broadcast over batch
    pos = pe[: x.shape[1]][None, :, :]  # [1, S, D]
    # Dropout is identity in eval/reference mode
    return tok + pos

if __name__ == "__main__":
    import jax
    _d = setup_inputs()
    print(jax.jit(kernel)(*tuple(_d.values())))

</pallas_src>

<mosaic_0001>
#map = affine_map<(d0, d1) -> (0, 0)>
#map1 = affine_map<(d0, d1) -> (0, 0, 0)>
module attributes {stable_mosaic.version = 14 : i64} {
  func.func @k(%arg0: i32, %arg1: i32, %arg2: memref<4x4096xi32, #tpu.memory_space<hbm>>, %arg3: memref<100000x768xf32, #tpu.memory_space<hbm>>, %arg4: memref<4096x768xf32, #tpu.memory_space<hbm>>, %arg5: memref<4x4096x768xf32, #tpu.memory_space<hbm>>, %arg6: memref<4x128xi32, #tpu.memory_space<vmem>>, %arg7: memref<64x768xf32, #tpu.memory_space<vmem>>, %arg8: memref<64x768xf32, #tpu.memory_space<vmem>>, %arg9: memref<!tpu.dma_semaphore, #tpu.memory_space<semaphore_mem>>, %arg10: memref<2x!tpu.dma_semaphore, #tpu.memory_space<semaphore_mem>>, %arg11: memref<2x!tpu.dma_semaphore, #tpu.memory_space<semaphore_mem>>, %arg12: memref<2x!tpu.dma_semaphore, #tpu.memory_space<semaphore_mem>>) attributes {dimension_semantics = [#tpu.dimension_semantics<core_parallel>, #tpu.dimension_semantics<subcore_parallel>], iteration_bounds = array<i64: 2, 16>, scalar_prefetch = 0 : i64, scratch_operands = 7 : i64, tpu.core_type = #tpu.core_type<sc_vector_subcore>, window_params = [{transform_indices = #map}, {transform_indices = #map}, {transform_indices = #map}, {transform_indices = #map1}]} {
    %mul3A = arith.constant 2 : i32
    %mul3A_0 = arith.muli %arg1, %mul3A : i32
    %add3A = arith.addi %mul3A_0, %arg0 : i32
    %mul3A_1 = arith.constant 128 : i32
    %mul3A_2 = arith.muli %add3A, %mul3A_1 : i32
    %dma_start3A = arith.constant 0 : i32
    %dma_start3A_3 = tpu.memref_slice %arg2[%dma_start3A, %mul3A_2] : memref<4x4096xi32, #tpu.memory_space<hbm>> -> memref<4x128xi32, #tpu.memory_space<hbm>>
    %dma_start3A_4 = arith.constant 0 : i32
    %dma_start3A_5 = tpu.memref_slice %arg2[%dma_start3A_4, %mul3A_2] : memref<4x4096xi32, #tpu.memory_space<hbm>> -> memref<4x128xi32, #tpu.memory_space<hbm>>
    tpu.enqueue_dma source(%dma_start3A_5 : memref<4x128xi32, #tpu.memory_space<hbm>>) target(%arg6 : memref<4x128xi32, #tpu.memory_space<vmem>>) target_semaphore(%arg9 : memref<!tpu.dma_semaphore, #tpu.memory_space<semaphore_mem>>)
    %dma_wait3A = arith.constant 0 : i32
    %dma_wait3A_6 = tpu.memref_slice %arg2[%dma_wait3A, %mul3A_2] : memref<4x4096xi32, #tpu.memory_space<hbm>> -> memref<4x128xi32, #tpu.memory_space<hbm>>
    %dma_wait3A_7 = arith.constant 0 : i32
    %dma_wait3A_8 = tpu.memref_slice %arg2[%dma_wait3A_7, %mul3A_2] : memref<4x4096xi32, #tpu.memory_space<hbm>> -> memref<4x128xi32, #tpu.memory_space<hbm>>
    tpu.wait_dma2 semaphore(%arg9 : memref<!tpu.dma_semaphore, #tpu.memory_space<semaphore_mem>>) src(%dma_wait3A_8 : memref<4x128xi32, #tpu.memory_space<hbm>>) dst(%arg6 : memref<4x128xi32, #tpu.memory_space<vmem>>)
    %add3A_9 = arith.constant 0 : i32
    %add3A_10 = arith.addi %mul3A_2, %add3A_9 : i32
    %dma_start3A_11 = arith.constant 0 : i32
    %dma_start3A_12 = arith.constant 0 : i32
    %dma_start3A_13 = arith.constant 0 : i32
    %dma_start3A_14 = tpu.memref_slice %arg8[%dma_start3A_12, %dma_start3A_13] : memref<64x768xf32, #tpu.memory_space<vmem>> -> memref<32x768xf32, #tpu.memory_space<vmem>>
    %dma_start3A_15 = arith.constant 0 : i32
    %dma_start3A_16 = tpu.memref_slice %arg4[%add3A_10, %dma_start3A_15] : memref<4096x768xf32, #tpu.memory_space<hbm>> -> memref<32x768xf32, #tpu.memory_space<hbm>>
    %dma_start3A_17 = tpu.memref_slice %arg11[%dma_start3A_11] : memref<2x!tpu.dma_semaphore, #tpu.memory_space<semaphore_mem>> -> memref<1x!tpu.dma_semaphore, #tpu.memory_space<semaphore_mem>>
    %dma_start3A_18 = tpu.memref_squeeze %dma_start3A_17 : memref<1x!tpu.dma_semaphore, #tpu.memory_space<semaphore_mem>> -> memref<!tpu.dma_semaphore, #tpu.memory_space<semaphore_mem>>
    %dma_start3A_19 = arith.constant 0 : i32
    %dma_start3A_20 = arith.constant 0 : i32
    %dma_start3A_21 = tpu.memref_slice %arg8[%dma_start3A_19, %dma_start3A_20] : memref<64x768xf32, #tpu.memory_space<vmem>> -> memref<32x768xf32, #tpu.memory_space<vmem>>
    %dma_start3A_22 = arith.constant 0 : i32
    %dma_start3A_23 = tpu.memref_slice %arg4[%add3A_10, %dma_start3A_22] : memref<4096x768xf32, #tpu.memory_space<hbm>> -> memref<32x768xf32, #tpu.memory_space<hbm>>
    tpu.enqueue_dma source(%dma_start3A_23 : memref<32x768xf32, #tpu.memory_space<hbm>>) target(%dma_start3A_21 : memref<32x768xf32, #tpu.memory_space<vmem>>) target_semaphore(%dma_start3A_18 : memref<!tpu.dma_semaphore, #tpu.memory_space<semaphore_mem>>)
    %dma_start3A_24 = arith.constant 0 : i32
    %dma_start3A_25 = arith.constant 0 : i32
    %dma_start3A_26 = arith.constant 0 : i32
    %dma_start3A_27 = arith.constant 0 : i32
    %dma_start3A_28 = tpu.memref_slice %arg7[%dma_start3A_26, %dma_start3A_27] : memref<64x768xf32, #tpu.memory_space<vmem>> -> memref<32x768xf32, #tpu.memory_space<vmem>>
    %dma_start3A_29 = arith.constant 0 : i32
    %dma_start3A_30 = tpu.memref_slice %arg6[%dma_start3A_24, %dma_start3A_29] : memref<4x128xi32, #tpu.memory_space<vmem>> -> memref<1x32xi32, #tpu.memory_space<vmem>>
    %dma_start3A_31 = tpu.memref_squeeze %dma_start3A_30 : memref<1x32xi32, #tpu.memory_space<vmem>> -> memref<32xi32, #tpu.memory_space<vmem>>
    %dma_start3A_32 = arith.constant 0 : i32
    %dma_start3A_33 = arith.constant 0 : i32
    %dma_start3A_34 = tpu.memref_slice %arg3[%dma_start3A_32, %dma_start3A_33] : memref<100000x768xf32, #tpu.memory_space<hbm>> -> memref<100000x768xf32, #tpu.memory_space<hbm>>
    %dma_start3A_35 = tpu.memref_slice %arg10[%dma_start3A_25] : memref<2x!tpu.dma_semaphore, #tpu.memory_space<semaphore_mem>> -> memref<1x!tpu.dma_semaphore, #tpu.memory_space<semaphore_mem>>
    %dma_start3A_36 = tpu.memref_squeeze %dma_start3A_35 : memref<1x!tpu.dma_semaphore, #tpu.memory_space<semaphore_mem>> -> memref<!tpu.dma_semaphore, #tpu.memory_space<semaphore_mem>>
    tpu.enqueue_indirect_dma source(%dma_start3A_34 : memref<100000x768xf32, #tpu.memory_space<hbm>>) target(%dma_start3A_28 : memref<32x768xf32, #tpu.memory_space<vmem>>) offsets(%dma_start3A_31 : memref<32xi32, #tpu.memory_space<vmem>>) semaphore(%dma_start3A_36 : memref<!tpu.dma_semaphore, #tpu.memory_space<semaphore_mem>>)
    %scan3A = arith.constant 0 : i32
    %scan3A_37 = arith.constant 0 : i32
    %scan3A_38 = arith.constant 16 : i32
    %scan3A_39 = arith.addi %scan3A_37, %scan3A_38 : i32
    %scan3A_40 = arith.constant 1 : i32
    scf.for %scan3A_57 = %scan3A_37 to %scan3A_39 step %scan3A_40  : i32 {
      %shift_right_arithmetic3A = arith.constant 2 : i32
      %shift_right_arithmetic3A_58 = arith.shrsi %scan3A_57, %shift_right_arithmetic3A : i32
      %and3A = arith.constant 3 : i32
      %and3A_59 = arith.andi %scan3A_57, %and3A : i32
      %and3A_60 = arith.constant 1 : i32
      %and3A_61 = arith.andi %scan3A_57, %and3A_60 : i32
      %and3A_62 = arith.constant 1 : i32
      %and3A_63 = arith.andi %shift_right_arithmetic3A_58, %and3A_62 : i32
      %ge3A = arith.constant 1 : i32
      %ge3A_64 = arith.cmpi sge, %scan3A_57, %ge3A : i32
      %convert_element_type3A = arith.extui %ge3A_64 : i1 to i32
      %cond3A = arith.constant 0 : i32
      %cond3A_65 = arith.cmpi ne, %convert_element_type3A, %cond3A : i32
      scf.if %cond3A_65 {
        %add3A_117 = arith.constant 1 : i32
        %add3A_118 = arith.addi %scan3A_57, %add3A_117 : i32
        %and3A_119 = arith.constant 1 : i32
        %and3A_120 = arith.andi %add3A_118, %and3A_119 : i32
        %dma_wait3A_121 = arith.constant 0 : i32
        %dma_wait3A_122 = arith.constant 0 : i32
        %dma_wait3A_123 = tpu.memref_slice %arg7[%dma_wait3A_121, %dma_wait3A_122] : memref<64x768xf32, #tpu.memory_space<vmem>> -> memref<32x768xf32, #tpu.memory_space<vmem>>
        %dma_wait3A_124 = arith.constant 0 : i32
        %dma_wait3A_125 = arith.constant 0 : i32
        %dma_wait3A_126 = tpu.memref_slice %arg4[%dma_wait3A_124, %dma_wait3A_125] : memref<4096x768xf32, #tpu.memory_space<hbm>> -> memref<32x768xf32, #tpu.memory_space<hbm>>
        %dma_wait3A_127 = tpu.memref_slice %arg12[%and3A_120] : memref<2x!tpu.dma_semaphore, #tpu.memory_space<semaphore_mem>> -> memref<1x!tpu.dma_semaphore, #tpu.memory_space<semaphore_mem>>
        %dma_wait3A_128 = tpu.memref_squeeze %dma_wait3A_127 : memref<1x!tpu.dma_semaphore, #tpu.memory_space<semaphore_mem>> -> memref<!tpu.dma_semaphore, #tpu.memory_space<semaphore_mem>>
        %dma_wait3A_129 = arith.constant 0 : i32
        %dma_wait3A_130 = arith.constant 0 : i32
        %dma_wait3A_131 = tpu.memref_slice %arg7[%dma_wait3A_129, %dma_wait3A_130] : memref<64x768xf32, #tpu.memory_space<vmem>> -> memref<32x768xf32, #tpu.memory_space<vmem>>
        %dma_wait3A_132 = arith.constant 0 : i32
        %dma_wait3A_133 = arith.constant 0 : i32
        %dma_wait3A_134 = tpu.memref_slice %arg4[%dma_wait3A_132, %dma_wait3A_133] : memref<4096x768xf32, #tpu.memory_space<hbm>> -> memref<32x768xf32, #tpu.memory_space<hbm>>
        tpu.wait_dma2 semaphore(%dma_wait3A_128 : memref<!tpu.dma_semaphore, #tpu.memory_space<semaphore_mem>>) src(%dma_wait3A_134 : memref<32x768xf32, #tpu.memory_space<hbm>>) dst(%dma_wait3A_131 : memref<32x768xf32, #tpu.memory_space<vmem>>)
      } else {
      }
      %lt3A = arith.constant 15 : i32
      %lt3A_66 = arith.cmpi slt, %scan3A_57, %lt3A : i32
      %convert_element_type3A_67 = arith.extui %lt3A_66 : i1 to i32
      %cond3A_68 = arith.constant 0 : i32
      %cond3A_69 = arith.cmpi ne, %convert_element_type3A_67, %cond3A_68 : i32
      scf.if %cond3A_69 {
        %add3A_117 = arith.constant 1 : i32
        %add3A_118 = arith.addi %scan3A_57, %add3A_117 : i32
        %shift_right_arithmetic3A_119 = arith.constant 2 : i32
        %shift_right_arithmetic3A_120 = arith.shrsi %add3A_118, %shift_right_arithmetic3A_119 : i32
        %and3A_121 = arith.constant 3 : i32
        %and3A_122 = arith.andi %add3A_118, %and3A_121 : i32
        %and3A_123 = arith.constant 1 : i32
        %and3A_124 = arith.andi %add3A_118, %and3A_123 : i32
        %mul3A_125 = arith.constant 32 : i32
        %mul3A_126 = arith.muli %shift_right_arithmetic3A_120, %mul3A_125 : i32
        %mul3A_127 = arith.constant 32 : i32
        %mul3A_128 = arith.muli %and3A_124, %mul3A_127 : i32
        %dma_start3A_129 = arith.constant 0 : i32
        %dma_start3A_130 = tpu.memref_slice %arg7[%mul3A_128, %dma_start3A_129] : memref<64x768xf32, #tpu.memory_space<vmem>> -> memref<32x768xf32, #tpu.memory_space<vmem>>
        %dma_start3A_131 = tpu.memref_slice %arg6[%and3A_122, %mul3A_126] : memref<4x128xi32, #tpu.memory_space<vmem>> -> memref<1x32xi32, #tpu.memory_space<vmem>>
        %dma_start3A_132 = tpu.memref_squeeze %dma_start3A_131 : memref<1x32xi32, #tpu.memory_space<vmem>> -> memref<32xi32, #tpu.memory_space<vmem>>
        %dma_start3A_133 = arith.constant 0 : i32
        %dma_start3A_134 = arith.constant 0 : i32
        %dma_start3A_135 = tpu.memref_slice %arg3[%dma_start3A_133, %dma_start3A_134] : memref<100000x768xf32, #tpu.memory_space<hbm>> -> memref<100000x768xf32, #tpu.memory_space<hbm>>
        %dma_start3A_136 = tpu.memref_slice %arg10[%and3A_124] : memref<2x!tpu.dma_semaphore, #tpu.memory_space<semaphore_mem>> -> memref<1x!tpu.dma_semaphore, #tpu.memory_space<semaphore_mem>>
        %dma_start3A_137 = tpu.memref_squeeze %dma_start3A_136 : memref<1x!tpu.dma_semaphore, #tpu.memory_space<semaphore_mem>> -> memref<!tpu.dma_semaphore, #tpu.memory_space<semaphore_mem>>
        tpu.enqueue_indirect_dma source(%dma_start3A_135 : memref<100000x768xf32, #tpu.memory_space<hbm>>) target(%dma_start3A_130 : memref<32x768xf32, #tpu.memory_space<vmem>>) offsets(%dma_start3A_132 : memref<32xi32, #tpu.memory_space<vmem>>) semaphore(%dma_start3A_137 : memref<!tpu.dma_semaphore, #tpu.memory_space<semaphore_mem>>)
      } else {
      }
      %eq3A = arith.constant 3 : i32
      %eq3A_70 = arith.cmpi eq, %and3A_59, %eq3A : i32
      %lt3A_71 = arith.constant 15 : i32
      %lt3A_72 = arith.cmpi slt, %scan3A_57, %lt3A_71 : i32
      %and3A_73 = arith.andi %eq3A_70, %lt3A_72 : i1
      %convert_element_type3A_74 = arith.extui %and3A_73 : i1 to i32
      %cond3A_75 = arith.constant 0 : i32
      %cond3A_76 = arith.cmpi ne, %convert_element_type3A_74, %cond3A_75 : i32
      scf.if %cond3A_76 {
        %add3A_117 = arith.constant 1 : i32
        %add3A_118 = arith.addi %shift_right_arithmetic3A_58, %add3A_117 : i32
        %and3A_119 = arith.constant 1 : i32
        %and3A_120 = arith.andi %add3A_118, %and3A_119 : i32
        %mul3A_121 = arith.constant 32 : i32
        %mul3A_122 = arith.muli %add3A_118, %mul3A_121 : i32
        %add3A_123 = arith.addi %mul3A_2, %mul3A_122 : i32
        %mul3A_124 = arith.constant 32 : i32
        %mul3A_125 = arith.muli %and3A_120, %mul3A_124 : i32
        %dma_start3A_126 = arith.constant 0 : i32
        %dma_start3A_127 = tpu.memref_slice %arg8[%mul3A_125, %dma_start3A_126] : memref<64x768xf32, #tpu.memory_space<vmem>> -> memref<32x768xf32, #tpu.memory_space<vmem>>
        %dma_start3A_128 = arith.constant 0 : i32
        %dma_start3A_129 = tpu.memref_slice %arg4[%add3A_123, %dma_start3A_128] : memref<4096x768xf32, #tpu.memory_space<hbm>> -> memref<32x768xf32, #tpu.memory_space<hbm>>
        %dma_start3A_130 = tpu.memref_slice %arg11[%and3A_120] : memref<2x!tpu.dma_semaphore, #tpu.memory_space<semaphore_mem>> -> memref<1x!tpu.dma_semaphore, #tpu.memory_space<semaphore_mem>>
        %dma_start3A_131 = tpu.memref_squeeze %dma_start3A_130 : memref<1x!tpu.dma_semaphore, #tpu.memory_space<semaphore_mem>> -> memref<!tpu.dma_semaphore, #tpu.memory_space<semaphore_mem>>
        %dma_start3A_132 = arith.constant 0 : i32
        %dma_start3A_133 = tpu.memref_slice %arg8[%mul3A_125, %dma_start3A_132] : memref<64x768xf32, #tpu.memory_space<vmem>> -> memref<32x768xf32, #tpu.memory_space<vmem>>
        %dma_start3A_134 = arith.constant 0 : i32
        %dma_start3A_135 = tpu.memref_slice %arg4[%add3A_123, %dma_start3A_134] : memref<4096x768xf32, #tpu.memory_space<hbm>> -> memref<32x768xf32, #tpu.memory_space<hbm>>
        tpu.enqueue_dma source(%dma_start3A_135 : memref<32x768xf32, #tpu.memory_space<hbm>>) target(%dma_start3A_133 : memref<32x768xf32, #tpu.memory_space<vmem>>) target_semaphore(%dma_start3A_131 : memref<!tpu.dma_semaphore, #tpu.memory_space<semaphore_mem>>)
      } else {
      }
      %dma_wait3A_77 = arith.constant 0 : i32
      %dma_wait3A_78 = arith.constant 0 : i32
      %dma_wait3A_79 = tpu.memref_slice %arg7[%dma_wait3A_77, %dma_wait3A_78] : memref<64x768xf32, #tpu.memory_space<vmem>> -> memref<32x768xf32, #tpu.memory_space<vmem>>
      %dma_wait3A_80 = arith.constant 0 : i32
      %dma_wait3A_81 = arith.constant 0 : i32
      %dma_wait3A_82 = tpu.memref_slice %arg4[%dma_wait3A_80, %dma_wait3A_81] : memref<4096x768xf32, #tpu.memory_space<hbm>> -> memref<32x768xf32, #tpu.memory_space<hbm>>
      %dma_wait3A_83 = tpu.memref_slice %arg10[%and3A_61] : memref<2x!tpu.dma_semaphore, #tpu.memory_space<semaphore_mem>> -> memref<1x!tpu.dma_semaphore, #tpu.memory_space<semaphore_mem>>
      %dma_wait3A_84 = tpu.memref_squeeze %dma_wait3A_83 : memref<1x!tpu.dma_semaphore, #tpu.memory_space<semaphore_mem>> -> memref<!tpu.dma_semaphore, #tpu.memory_space<semaphore_mem>>
      %dma_wait3A_85 = arith.constant 0 : i32
      %dma_wait3A_86 = arith.constant 0 : i32
      %dma_wait3A_87 = tpu.memref_slice %arg7[%dma_wait3A_85, %dma_wait3A_86] : memref<64x768xf32, #tpu.memory_space<vmem>> -> memref<32x768xf32, #tpu.memory_space<vmem>>
      %dma_wait3A_88 = arith.constant 0 : i32
      %dma_wait3A_89 = arith.constant 0 : i32
      %dma_wait3A_90 = tpu.memref_slice %arg4[%dma_wait3A_88, %dma_wait3A_89] : memref<4096x768xf32, #tpu.memory_space<hbm>> -> memref<32x768xf32, #tpu.memory_space<hbm>>
      tpu.wait_dma2 semaphore(%dma_wait3A_84 : memref<!tpu.dma_semaphore, #tpu.memory_space<semaphore_mem>>) src(%dma_wait3A_90 : memref<32x768xf32, #tpu.memory_space<hbm>>) dst(%dma_wait3A_87 : memref<32x768xf32, #tpu.memory_space<vmem>>)
      %eq3A_91 = arith.constant 0 : i32
      %eq3A_92 = arith.cmpi eq, %and3A_59, %eq3A_91 : i32
      %convert_element_type3A_93 = arith.extui %eq3A_92 : i1 to i32
      %cond3A_94 = arith.constant 0 : i32
      %cond3A_95 = arith.cmpi ne, %convert_element_type3A_93, %cond3A_94 : i32
      scf.if %cond3A_95 {
        %dma_wait3A_117 = arith.constant 0 : i32
        %dma_wait3A_118 = arith.constant 0 : i32
        %dma_wait3A_119 = tpu.memref_slice %arg7[%dma_wait3A_117, %dma_wait3A_118] : memref<64x768xf32, #tpu.memory_space<vmem>> -> memref<32x768xf32, #tpu.memory_space<vmem>>
        %dma_wait3A_120 = arith.constant 0 : i32
        %dma_wait3A_121 = arith.constant 0 : i32
        %dma_wait3A_122 = tpu.memref_slice %arg4[%dma_wait3A_120, %dma_wait3A_121] : memref<4096x768xf32, #tpu.memory_space<hbm>> -> memref<32x768xf32, #tpu.memory_space<hbm>>
        %dma_wait3A_123 = tpu.memref_slice %arg11[%and3A_63] : memref<2x!tpu.dma_semaphore, #tpu.memory_space<semaphore_mem>> -> memref<1x!tpu.dma_semaphore, #tpu.memory_space<semaphore_mem>>
        %dma_wait3A_124 = tpu.memref_squeeze %dma_wait3A_123 : memref<1x!tpu.dma_semaphore, #tpu.memory_space<semaphore_mem>> -> memref<!tpu.dma_semaphore, #tpu.memory_space<semaphore_mem>>
        %dma_wait3A_125 = arith.constant 0 : i32
        %dma_wait3A_126 = arith.constant 0 : i32
        %dma_wait3A_127 = tpu.memref_slice %arg7[%dma_wait3A_125, %dma_wait3A_126] : memref<64x768xf32, #tpu.memory_space<vmem>> -> memref<32x768xf32, #tpu.memory_space<vmem>>
        %dma_wait3A_128 = arith.constant 0 : i32
        %dma_wait3A_129 = arith.constant 0 : i32
        %dma_wait3A_130 = tpu.memref_slice %arg4[%dma_wait3A_128, %dma_wait3A_129] : memref<4096x768xf32, #tpu.memory_space<hbm>> -> memref<32x768xf32, #tpu.memory_space<hbm>>
        tpu.wait_dma2 semaphore(%dma_wait3A_124 : memref<!tpu.dma_semaphore, #tpu.memory_space<semaphore_mem>>) src(%dma_wait3A_130 : memref<32x768xf32, #tpu.memory_space<hbm>>) dst(%dma_wait3A_127 : memref<32x768xf32, #tpu.memory_space<vmem>>)
      } else {
      }
      %mul3A_96 = arith.constant 32 : i32
      %mul3A_97 = arith.muli %and3A_61, %mul3A_96 : i32
      %mul3A_98 = arith.constant 32 : i32
      %mul3A_99 = arith.muli %and3A_63, %mul3A_98 : i32
      %parallel_loop3A = arith.constant 0 : i32
      %parallel_loop3A_100 = arith.constant 32 : i32
      %parallel_loop3A_101 = arith.constant 1 : i32
      scf.for %parallel_loop3A_117 = %parallel_loop3A to %parallel_loop3A_100 step %parallel_loop3A_101  : i32 {
        %parallel_loop3A_118 = arith.addi %mul3A_97, %parallel_loop3A_117 : i32
        %parallel_loop3A_119 = arith.addi %mul3A_99, %parallel_loop3A_117 : i32
        %parallel_loop3A_120 = arith.index_cast %parallel_loop3A_119 : i32 to index
        %parallel_loop3A_121 = arith.constant 0 : index
        %parallel_loop3A_122 = tpu.vector_load %arg8[%parallel_loop3A_120, %parallel_loop3A_121] {strides = array<i32>} : memref<64x768xf32, #tpu.memory_space<vmem>>, vector<1x16xf32>,
        %parallel_loop3A_123 = vector.shape_cast %parallel_loop3A_122 : vector<1x16xf32> to vector<16xf32>
        %parallel_loop3A_124 = arith.index_cast %parallel_loop3A_118 : i32 to index
        %parallel_loop3A_125 = arith.constant 0 : index
        %parallel_loop3A_126 = tpu.vector_load %arg7[%parallel_loop3A_124, %parallel_loop3A_125] {strides = array<i32>} : memref<64x768xf32, #tpu.memory_space<vmem>>, vector<1x16xf32>,
        %parallel_loop3A_127 = vector.shape_cast %parallel_loop3A_126 : vector<1x16xf32> to vector<16xf32>
        %parallel_loop3A_128 = vector.shape_cast %parallel_loop3A_123 : vector<16xf32> to vector<1x16xf32>
        tpu.vector_store %arg7[%parallel_loop3A_124, %parallel_loop3A_125], %parallel_loop3A_128 {add = true, strides = array<i32>} : memref<64x768xf32, #tpu.memory_space<vmem>>, vector<1x16xf32>,
        %parallel_loop3A_129 = arith.addi %mul3A_97, %parallel_loop3A_117 : i32
        %parallel_loop3A_130 = arith.addi %mul3A_99, %parallel_loop3A_117 : i32
        %parallel_loop3A_131 = arith.index_cast %parallel_loop3A_130 : i32 to index
        %parallel_loop3A_132 = arith.constant 16 : index
        %parallel_loop3A_133 = tpu.vector_load %arg8[%parallel_loop3A_131, %parallel_loop3A_132] {strides = array<i32>} : memref<64x768xf32, #tpu.memory_space<vmem>>, vector<1x16xf32>,
        %parallel_loop3A_134 = vector.shape_cast %parallel_loop3A_133 : vector<1x16xf32> to vector<16xf32>
        %parallel_loop3A_135 = arith.index_cast %parallel_loop3A_129 : i32 to index
        %parallel_loop3A_136 = arith.constant 16 : index
        %parallel_loop3A_137 = tpu.vector_load %arg7[%parallel_loop3A_135, %parallel_loop3A_136] {strides = array<i32>} : memref<64x768xf32, #tpu.memory_space<vmem>>, vector<1x16xf32>,
        %parallel_loop3A_138 = vector.shape_cast %parallel_loop3A_137 : vector<1x16xf32> to vector<16xf32>
        %parallel_loop3A_139 = vector.shape_cast %parallel_loop3A_134 : vector<16xf32> to vector<1x16xf32>
        tpu.vector_store %arg7[%parallel_loop3A_135, %parallel_loop3A_136], %parallel_loop3A_139 {add = true, strides = array<i32>} : memref<64x768xf32, #tpu.memory_space<vmem>>, vector<1x16xf32>,
        %parallel_loop3A_140 = arith.addi %mul3A_97, %parallel_loop3A_117 : i32
        %parallel_loop3A_141 = arith.addi %mul3A_99, %parallel_loop3A_117 : i32
        %parallel_loop3A_142 = arith.index_cast %parallel_loop3A_141 : i32 to index
        %parallel_loop3A_143 = arith.constant 32 : index
        %parallel_loop3A_144 = tpu.vector_load %arg8[%parallel_loop3A_142, %parallel_loop3A_143] {strides = array<i32>} : memref<64x768xf32, #tpu.memory_space<vmem>>, vector<1x16xf32>,
        %parallel_loop3A_145 = vector.shape_cast %parallel_loop3A_144 : vector<1x16xf32> to vector<16xf32>
        %parallel_loop3A_146 = arith.index_cast %parallel_loop3A_140 : i32 to index
        %parallel_loop3A_147 = arith.constant 32 : index
        %parallel_loop3A_148 = tpu.vector_load %arg7[%parallel_loop3A_146, %parallel_loop3A_147] {strides = array<i32>} : memref<64x768xf32, #tpu.memory_space<vmem>>, vector<1x16xf32>,
        %parallel_loop3A_149 = vector.shape_cast %parallel_loop3A_148 : vector<1x16xf32> to vector<16xf32>
        %parallel_loop3A_150 = vector.shape_cast %parallel_loop3A_145 : vector<16xf32> to vector<1x16xf32>
        tpu.vector_store %arg7[%parallel_loop3A_146, %parallel_loop3A_147], %parallel_loop3A_150 {add = true, strides = array<i32>} : memref<64x768xf32, #tpu.memory_space<vmem>>, vector<1x16xf32>,
        %parallel_loop3A_151 = arith.addi %mul3A_97, %parallel_loop3A_117 : i32
        %parallel_loop3A_152 = arith.addi %mul3A_99, %parallel_loop3A_117 : i32
        %parallel_loop3A_153 = arith.index_cast %parallel_loop3A_152 : i32 to index
        %parallel_loop3A_154 = arith.constant 48 : index
        %parallel_loop3A_155 = tpu.vector_load %arg8[%parallel_loop3A_153, %parallel_loop3A_154] {strides = array<i32>} : memref<64x768xf32, #tpu.memory_space<vmem>>, vector<1x16xf32>,
        %parallel_loop3A_156 = vector.shape_cast %parallel_loop3A_155 : vector<1x16xf32> to vector<16xf32>
        %parallel_loop3A_157 = arith.index_cast %parallel_loop3A_151 : i32 to index
        %parallel_loop3A_158 = arith.constant 48 : index
        %parallel_loop3A_159 = tpu.vector_load %arg7[%parallel_loop3A_157, %parallel_loop3A_158] {strides = array<i32>} : memref<64x768xf32, #tpu.memory_space<vmem>>, vector<1x16xf32>,
        %parallel_loop3A_160 = vector.shape_cast %parallel_loop3A_159 : vector<1x16xf32> to vector<16xf32>
        %parallel_loop3A_161 = vector.shape_cast %parallel_loop3A_156 : vector<16xf32> to vector<1x16xf32>
        tpu.vector_store %arg7[%parallel_loop3A_157, %parallel_loop3A_158], %parallel_loop3A_161 {add = true, strides = array<i32>} : memref<64x768xf32, #tpu.memory_space<vmem>>, vector<1x16xf32>,
        %parallel_loop3A_162 = arith.addi %mul3A_97, %parallel_loop3A_117 : i32
        %parallel_loop3A_163 = arith.addi %mul3A_99, %parallel_loop3A_117 : i32
        %parallel_loop3A_164 = arith.index_cast %parallel_loop3A_163 : i32 to index
        %parallel_loop3A_165 = arith.constant 64 : index
        %parallel_loop3A_166 = tpu.vector_load %arg8[%parallel_loop3A_164, %parallel_loop3A_165] {strides = array<i32>} : memref<64x768xf32, #tpu.memory_space<vmem>>, vector<1x16xf32>,
        %parallel_loop3A_167 = vector.shape_cast %parallel_loop3A_166 : vector<1x16xf32> to vector<16xf32>
        %parallel_loop3A_168 = arith.index_cast %parallel_loop3A_162 : i32 to index
        %parallel_loop3A_169 = arith.constant 64 : index
        %parallel_loop3A_170 = tpu.vector_load %arg7[%parallel_loop3A_168, %parallel_loop3A_169] {strides = array<i32>} : memref<64x768xf32, #tpu.memory_space<vmem>>, vector<1x16xf32>,
        %parallel_loop3A_171 = vector.shape_cast %parallel_loop3A_170 : vector<1x16xf32> to vector<16xf32>
        %parallel_loop3A_172 = vector.shape_cast %parallel_loop3A_167 : vector<16xf32> to vector<1x16xf32>
        tpu.vector_store %arg7[%parallel_loop3A_168, %parallel_loop3A_169], %parallel_loop3A_172 {add = true, strides = array<i32>} : memref<64x768xf32, #tpu.memory_space<vmem>>, vector<1x16xf32>,
        %parallel_loop3A_173 = arith.addi %mul3A_97, %parallel_loop3A_117 : i32
        %parallel_loop3A_174 = arith.addi %mul3A_99, %parallel_loop3A_117 : i32
        %parallel_loop3A_175 = arith.index_cast %parallel_loop3A_174 : i32 to index
        %parallel_loop3A_176 = arith.constant 80 : index
        %parallel_loop3A_177 = tpu.vector_load %arg8[%parallel_loop3A_175, %parallel_loop3A_176] {strides = array<i32>} : memref<64x768xf32, #tpu.memory_space<vmem>>, vector<1x16xf32>,
        %parallel_loop3A_178 = vector.shape_cast %parallel_loop3A_177 : vector<1x16xf32> to vector<16xf32>
        %parallel_loop3A_179 = arith.index_cast %parallel_loop3A_173 : i32 to index
        %parallel_loop3A_180 = arith.constant 80 : index
        %parallel_loop3A_181 = tpu.vector_load %arg7[%parallel_loop3A_179, %parallel_loop3A_180] {strides = array<i32>} : memref<64x768xf32, #tpu.memory_space<vmem>>, vector<1x16xf32>,
        %parallel_loop3A_182 = vector.shape_cast %parallel_loop3A_181 : vector<1x16xf32> to vector<16xf32>
        %parallel_loop3A_183 = vector.shape_cast %parallel_loop3A_178 : vector<16xf32> to vector<1x16xf32>
        tpu.vector_store %arg7[%parallel_loop3A_179, %parallel_loop3A_180], %parallel_loop3A_183 {add = true, strides = array<i32>} : memref<64x768xf32, #tpu.memory_space<vmem>>, vector<1x16xf32>,
        %parallel_loop3A_184 = arith.addi %mul3A_97, %parallel_loop3A_117 : i32
        %parallel_loop3A_185 = arith.addi %mul3A_99, %parallel_loop3A_117 : i32
        %parallel_loop3A_186 = arith.index_cast %parallel_loop3A_185 : i32 to index
        %parallel_loop3A_187 = arith.constant 96 : index
        %parallel_loop3A_188 = tpu.vector_load %arg8[%parallel_loop3A_186, %parallel_loop3A_187] {strides = array<i32>} : memref<64x768xf32, #tpu.memory_space<vmem>>, vector<1x16xf32>,
        %parallel_loop3A_189 = vector.shape_cast %parallel_loop3A_188 : vector<1x16xf32> to vector<16xf32>
        %parallel_loop3A_190 = arith.index_cast %parallel_loop3A_184 : i32 to index
        %parallel_loop3A_191 = arith.constant 96 : index
        %parallel_loop3A_192 = tpu.vector_load %arg7[%parallel_loop3A_190, %parallel_loop3A_191] {strides = array<i32>} : memref<64x768xf32, #tpu.memory_space<vmem>>, vector<1x16xf32>,
        %parallel_loop3A_193 = vector.shape_cast %parallel_loop3A_192 : vector<1x16xf32> to vector<16xf32>
        %parallel_loop3A_194 = vector.shape_cast %parallel_loop3A_189 : vector<16xf32> to vector<1x16xf32>
        tpu.vector_store %arg7[%parallel_loop3A_190, %parallel_loop3A_191], %parallel_loop3A_194 {add = true, strides = array<i32>} : memref<64x768xf32, #tpu.memory_space<vmem>>, vector<1x16xf32>,
        %parallel_loop3A_195 = arith.addi %mul3A_97, %parallel_loop3A_117 : i32
        %parallel_loop3A_196 = arith.addi %mul3A_99, %parallel_loop3A_117 : i32
        %parallel_loop3A_197 = arith.index_cast %parallel_loop3A_196 : i32 to index
        %parallel_loop3A_198 = arith.constant 112 : index
        %parallel_loop3A_199 = tpu.vector_load %arg8[%parallel_loop3A_197, %parallel_loop3A_198] {strides = array<i32>} : memref<64x768xf32, #tpu.memory_space<vmem>>, vector<1x16xf32>,
        %parallel_loop3A_200 = vector.shape_cast %parallel_loop3A_199 : vector<1x16xf32> to vector<16xf32>
        %parallel_loop3A_201 = arith.index_cast %parallel_loop3A_195 : i32 to index
        %parallel_loop3A_202 = arith.constant 112 : index
        %parallel_loop3A_203 = tpu.vector_load %arg7[%parallel_loop3A_201, %parallel_loop3A_202] {strides = array<i32>} : memref<64x768xf32, #tpu.memory_space<vmem>>, vector<1x16xf32>,
        %parallel_loop3A_204 = vector.shape_cast %parallel_loop3A_203 : vector<1x16xf32> to vector<16xf32>
        %parallel_loop3A_205 = vector.shape_cast %parallel_loop3A_200 : vector<16xf32> to vector<1x16xf32>
        tpu.vector_store %arg7[%parallel_loop3A_201, %parallel_loop3A_202], %parallel_loop3A_205 {add = true, strides = array<i32>} : memref<64x768xf32, #tpu.memory_space<vmem>>, vector<1x16xf32>,
        %parallel_loop3A_206 = arith.addi %mul3A_97, %parallel_loop3A_117 : i32
        %parallel_loop3A_207 = arith.addi %mul3A_99, %parallel_loop3A_117 : i32
        %parallel_loop3A_208 = arith.index_cast %parallel_loop3A_207 : i32 to index
        %parallel_loop3A_209 = arith.constant 128 : index
        %parallel_loop3A_210 = tpu.vector_load %arg8[%parallel_loop3A_208, %parallel_loop3A_209] {strides = array<i32>} : memref<64x768xf32, #tpu.memory_space<vmem>>, vector<1x16xf32>,
        %parallel_loop3A_211 = vector.shape_cast %parallel_loop3A_210 : vector<1x16xf32> to vector<16xf32>
        %parallel_loop3A_212 = arith.index_cast %parallel_loop3A_206 : i32 to index
        %parallel_loop3A_213 = arith.constant 128 : index
        %parallel_loop3A_214 = tpu.vector_load %arg7[%parallel_loop3A_212, %parallel_loop3A_213] {strides = array<i32>} : memref<64x768xf32, #tpu.memory_space<vmem>>, vector<1x16xf32>,
        %parallel_loop3A_215 = vector.shape_cast %parallel_loop3A_214 : vector<1x16xf32> to vector<16xf32>
        %parallel_loop3A_216 = vector.shape_cast %parallel_loop3A_211 : vector<16xf32> to vector<1x16xf32>
        tpu.vector_store %arg7[%parallel_loop3A_212, %parallel_loop3A_213], %parallel_loop3A_216 {add = true, strides = array<i32>} : memref<64x768xf32, #tpu.memory_space<vmem>>, vector<1x16xf32>,
        %parallel_loop3A_217 = arith.addi %mul3A_97, %parallel_loop3A_117 : i32
        %parallel_loop3A_218 = arith.addi %mul3A_99, %parallel_loop3A_117 : i32
        %parallel_loop3A_219 = arith.index_cast %parallel_loop3A_218 : i32 to index
        %parallel_loop3A_220 = arith.constant 144 : index
        %parallel_loop3A_221 = tpu.vector_load %arg8[%parallel_loop3A_219, %parallel_loop3A_220] {strides = array<i32>} : memref<64x768xf32, #tpu.memory_space<vmem>>, vector<1x16xf32>,
        %parallel_loop3A_222 = vector.shape_cast %parallel_loop3A_221 : vector<1x16xf32> to vector<16xf32>
        %parallel_loop3A_223 = arith.index_cast %parallel_loop3A_217 : i32 to index
        %parallel_loop3A_224 = arith.constant 144 : index
        %parallel_loop3A_225 = tpu.vector_load %arg7[%parallel_loop3A_223, %parallel_loop3A_224] {strides = array<i32>} : memref<64x768xf32, #tpu.memory_space<vmem>>, vector<1x16xf32>,
        %parallel_loop3A_226 = vector.shape_cast %parallel_loop3A_225 : vector<1x16xf32> to vector<16xf32>
        %parallel_loop3A_227 = vector.shape_cast %parallel_loop3A_222 : vector<16xf32> to vector<1x16xf32>
        tpu.vector_store %arg7[%parallel_loop3A_223, %parallel_loop3A_224], %parallel_loop3A_227 {add = true, strides = array<i32>} : memref<64x768xf32, #tpu.memory_space<vmem>>, vector<1x16xf32>,
        %parallel_loop3A_228 = arith.addi %mul3A_97, %parallel_loop3A_117 : i32
        %parallel_loop3A_229 = arith.addi %mul3A_99, %parallel_loop3A_117 : i32
        %parallel_loop3A_230 = arith.index_cast %parallel_loop3A_229 : i32 to index
        %parallel_loop3A_231 = arith.constant 160 : index
        %parallel_loop3A_232 = tpu.vector_load %arg8[%parallel_loop3A_230, %parallel_loop3A_231] {strides = array<i32>} : memref<64x768xf32, #tpu.memory_space<vmem>>, vector<1x16xf32>,
        %parallel_loop3A_233 = vector.shape_cast %parallel_loop3A_232 : vector<1x16xf32> to vector<16xf32>
        %parallel_loop3A_234 = arith.index_cast %parallel_loop3A_228 : i32 to index
        %parallel_loop3A_235 = arith.constant 160 : index
        %parallel_loop3A_236 = tpu.vector_load %arg7[%parallel_loop3A_234, %parallel_loop3A_235] {strides = array<i32>} : memref<64x768xf32, #tpu.memory_space<vmem>>, vector<1x16xf32>,
        %parallel_loop3A_237 = vector.shape_cast %parallel_loop3A_236 : vector<1x16xf32> to vector<16xf32>
        %parallel_loop3A_238 = vector.shape_cast %parallel_loop3A_233 : vector<16xf32> to vector<1x16xf32>
        tpu.vector_store %arg7[%parallel_loop3A_234, %parallel_loop3A_235], %parallel_loop3A_238 {add = true, strides = array<i32>} : memref<64x768xf32, #tpu.memory_space<vmem>>, vector<1x16xf32>,
        %parallel_loop3A_239 = arith.addi %mul3A_97, %parallel_loop3A_117 : i32
        %parallel_loop3A_240 = arith.addi %mul3A_99, %parallel_loop3A_117 : i32
        %parallel_loop3A_241 = arith.index_cast %parallel_loop3A_240 : i32 to index
        %parallel_loop3A_242 = arith.constant 176 : index
        %parallel_loop3A_243 = tpu.vector_load %arg8[%parallel_loop3A_241, %parallel_loop3A_242] {strides = array<i32>} : memref<64x768xf32, #tpu.memory_space<vmem>>, vector<1x16xf32>,
        %parallel_loop3A_244 = vector.shape_cast %parallel_loop3A_243 : vector<1x16xf32> to vector<16xf32>
        %parallel_loop3A_245 = arith.index_cast %parallel_loop3A_239 : i32 to index
        %parallel_loop3A_246 = arith.constant 176 : index
        %parallel_loop3A_247 = tpu.vector_load %arg7[%parallel_loop3A_245, %parallel_loop3A_246] {strides = array<i32>} : memref<64x768xf32, #tpu.memory_space<vmem>>, vector<1x16xf32>,
        %parallel_loop3A_248 = vector.shape_cast %parallel_loop3A_247 : vector<1x16xf32> to vector<16xf32>
        %parallel_loop3A_249 = vector.shape_cast %parallel_loop3A_244 : vector<16xf32> to vector<1x16xf32>
        tpu.vector_store %arg7[%parallel_loop3A_245, %parallel_loop3A_246], %parallel_loop3A_249 {add = true, strides = array<i32>} : memref<64x768xf32, #tpu.memory_space<vmem>>, vector<1x16xf32>,
        %parallel_loop3A_250 = arith.addi %mul3A_97, %parallel_loop3A_117 : i32
        %parallel_loop3A_251 = arith.addi %mul3A_99, %parallel_loop3A_117 : i32
        %parallel_loop3A_252 = arith.index_cast %parallel_loop3A_251 : i32 to index
        %parallel_loop3A_253 = arith.constant 192 : index
        %parallel_loop3A_254 = tpu.vector_load %arg8[%parallel_loop3A_252, %parallel_loop3A_253] {strides = array<i32>} : memref<64x768xf32, #tpu.memory_space<vmem>>, vector<1x16xf32>,
        %parallel_loop3A_255 = vector.shape_cast %parallel_loop3A_254 : vector<1x16xf32> to vector<16xf32>
        %parallel_loop3A_256 = arith.index_cast %parallel_loop3A_250 : i32 to index
        %parallel_loop3A_257 = arith.constant 192 : index
        %parallel_loop3A_258 = tpu.vector_load %arg7[%parallel_loop3A_256, %parallel_loop3A_257] {strides = array<i32>} : memref<64x768xf32, #tpu.memory_space<vmem>>, vector<1x16xf32>,
        %parallel_loop3A_259 = vector.shape_cast %parallel_loop3A_258 : vector<1x16xf32> to vector<16xf32>
        %parallel_loop3A_260 = vector.shape_cast %parallel_loop3A_255 : vector<16xf32> to vector<1x16xf32>
        tpu.vector_store %arg7[%parallel_loop3A_256, %parallel_loop3A_257], %parallel_loop3A_260 {add = true, strides = array<i32>} : memref<64x768xf32, #tpu.memory_space<vmem>>, vector<1x16xf32>,
        %parallel_loop3A_261 = arith.addi %mul3A_97, %parallel_loop3A_117 : i32
        %parallel_loop3A_262 = arith.addi %mul3A_99, %parallel_loop3A_117 : i32
        %parallel_loop3A_263 = arith.index_cast %parallel_loop3A_262 : i32 to index
        %parallel_loop3A_264 = arith.constant 208 : index
        %parallel_loop3A_265 = tpu.vector_load %arg8[%parallel_loop3A_263, %parallel_loop3A_264] {strides = array<i32>} : memref<64x768xf32, #tpu.memory_space<vmem>>, vector<1x16xf32>,
        %parallel_loop3A_266 = vector.shape_cast %parallel_loop3A_265 : vector<1x16xf32> to vector<16xf32>
        %parallel_loop3A_267 = arith.index_cast %parallel_loop3A_261 : i32 to index
        %parallel_loop3A_268 = arith.constant 208 : index
        %parallel_loop3A_269 = tpu.vector_load %arg7[%parallel_loop3A_267, %parallel_loop3A_268] {strides = array<i32>} : memref<64x768xf32, #tpu.memory_space<vmem>>, vector<1x16xf32>,
        %parallel_loop3A_270 = vector.shape_cast %parallel_loop3A_269 : vector<1x16xf32> to vector<16xf32>
        %parallel_loop3A_271 = vector.shape_cast %parallel_loop3A_266 : vector<16xf32> to vector<1x16xf32>
        tpu.vector_store %arg7[%parallel_loop3A_267, %parallel_loop3A_268], %parallel_loop3A_271 {add = true, strides = array<i32>} : memref<64x768xf32, #tpu.memory_space<vmem>>, vector<1x16xf32>,
        %parallel_loop3A_272 = arith.addi %mul3A_97, %parallel_loop3A_117 : i32
        %parallel_loop3A_273 = arith.addi %mul3A_99, %parallel_loop3A_117 : i32
        %parallel_loop3A_274 = arith.index_cast %parallel_loop3A_273 : i32 to index
        %parallel_loop3A_275 = arith.constant 224 : index
        %parallel_loop3A_276 = tpu.vector_load %arg8[%parallel_loop3A_274, %parallel_loop3A_275] {strides = array<i32>} : memref<64x768xf32, #tpu.memory_space<vmem>>, vector<1x16xf32>,
        %parallel_loop3A_277 = vector.shape_cast %parallel_loop3A_276 : vector<1x16xf32> to vector<16xf32>
        %parallel_loop3A_278 = arith.index_cast %parallel_loop3A_272 : i32 to index
        %parallel_loop3A_279 = arith.constant 224 : index
        %parallel_loop3A_280 = tpu.vector_load %arg7[%parallel_loop3A_278, %parallel_loop3A_279] {strides = array<i32>} : memref<64x768xf32, #tpu.memory_space<vmem>>, vector<1x16xf32>,
        %parallel_loop3A_281 = vector.shape_cast %parallel_loop3A_280 : vector<1x16xf32> to vector<16xf32>
        %parallel_loop3A_282 = vector.shape_cast %parallel_loop3A_277 : vector<16xf32> to vector<1x16xf32>
        tpu.vector_store %arg7[%parallel_loop3A_278, %parallel_loop3A_279], %parallel_loop3A_282 {add = true, strides = array<i32>} : memref<64x768xf32, #tpu.memory_space<vmem>>, vector<1x16xf32>,
        %parallel_loop3A_283 = arith.addi %mul3A_97, %parallel_loop3A_117 : i32
        %parallel_loop3A_284 = arith.addi %mul3A_99, %parallel_loop3A_117 : i32
        %parallel_loop3A_285 = arith.index_cast %parallel_loop3A_284 : i32 to index
        %parallel_loop3A_286 = arith.constant 240 : index
        %parallel_loop3A_287 = tpu.vector_load %arg8[%parallel_loop3A_285, %parallel_loop3A_286] {strides = array<i32>} : memref<64x768xf32, #tpu.memory_space<vmem>>, vector<1x16xf32>,
        %parallel_loop3A_288 = vector.shape_cast %parallel_loop3A_287 : vector<1x16xf32> to vector<16xf32>
        %parallel_loop3A_289 = arith.index_cast %parallel_loop3A_283 : i32 to index
        %parallel_loop3A_290 = arith.constant 240 : index
        %parallel_loop3A_291 = tpu.vector_load %arg7[%parallel_loop3A_289, %parallel_loop3A_290] {strides = array<i32>} : memref<64x768xf32, #tpu.memory_space<vmem>>, vector<1x16xf32>,
        %parallel_loop3A_292 = vector.shape_cast %parallel_loop3A_291 : vector<1x16xf32> to vector<16xf32>
        %parallel_loop3A_293 = vector.shape_cast %parallel_loop3A_288 : vector<16xf32> to vector<1x16xf32>
        tpu.vector_store %arg7[%parallel_loop3A_289, %parallel_loop3A_290], %parallel_loop3A_293 {add = true, strides = array<i32>} : memref<64x768xf32, #tpu.memory_space<vmem>>, vector<1x16xf32>,
        %parallel_loop3A_294 = arith.addi %mul3A_97, %parallel_loop3A_117 : i32
        %parallel_loop3A_295 = arith.addi %mul3A_99, %parallel_loop3A_117 : i32
        %parallel_loop3A_296 = arith.index_cast %parallel_loop3A_295 : i32 to index
        %parallel_loop3A_297 = arith.constant 256 : index
        %parallel_loop3A_298 = tpu.vector_load %arg8[%parallel_loop3A_296, %parallel_loop3A_297] {strides = array<i32>} : memref<64x768xf32, #tpu.memory_space<vmem>>, vector<1x16xf32>,
        %parallel_loop3A_299 = vector.shape_cast %parallel_loop3A_298 : vector<1x16xf32> to vector<16xf32>
        %parallel_loop3A_300 = arith.index_cast %parallel_loop3A_294 : i32 to index
        %parallel_loop3A_301 = arith.constant 256 : index
        %parallel_loop3A_302 = tpu.vector_load %arg7[%parallel_loop3A_300, %parallel_loop3A_301] {strides = array<i32>} : memref<64x768xf32, #tpu.memory_space<vmem>>, vector<1x16xf32>,
        %parallel_loop3A_303 = vector.shape_cast %parallel_loop3A_302 : vector<1x16xf32> to vector<16xf32>
        %parallel_loop3A_304 = vector.shape_cast %parallel_loop3A_299 : vector<16xf32> to vector<1x16xf32>
        tpu.vector_store %arg7[%parallel_loop3A_300, %parallel_loop3A_301], %parallel_loop3A_304 {add = true, strides = array<i32>} : memref<64x768xf32, #tpu.memory_space<vmem>>, vector<1x16xf32>,
        %parallel_loop3A_305 = arith.addi %mul3A_97, %parallel_loop3A_117 : i32
        %parallel_loop3A_306 = arith.addi %mul3A_99, %parallel_loop3A_117 : i32
        %parallel_loop3A_307 = arith.index_cast %parallel_loop3A_306 : i32 to index
        %parallel_loop3A_308 = arith.constant 272 : index
        %parallel_loop3A_309 = tpu.vector_load %arg8[%parallel_loop3A_307, %parallel_loop3A_308] {strides = array<i32>} : memref<64x768xf32, #tpu.memory_space<vmem>>, vector<1x16xf32>,
        %parallel_loop3A_310 = vector.shape_cast %parallel_loop3A_309 : vector<1x16xf32> to vector<16xf32>
        %parallel_loop3A_311 = arith.index_cast %parallel_loop3A_305 : i32 to index
        %parallel_loop3A_312 = arith.constant 272 : index
        %parallel_loop3A_313 = tpu.vector_load %arg7[%parallel_loop3A_311, %parallel_loop3A_312] {strides = array<i32>} : memref<64x768xf32, #tpu.memory_space<vmem>>, vector<1x16xf32>,
        %parallel_loop3A_314 = vector.shape_cast %parallel_loop3A_313 : vector<1x16xf32> to vector<16xf32>
        %parallel_loop3A_315 = vector.shape_cast %parallel_loop3A_310 : vector<16xf32> to vector<1x16xf32>
        tpu.vector_store %arg7[%parallel_loop3A_311, %parallel_loop3A_312], %parallel_loop3A_315 {add = true, strides = array<i32>} : memref<64x768xf32, #tpu.memory_space<vmem>>, vector<1x16xf32>,
        %parallel_loop3A_316 = arith.addi %mul3A_97, %parallel_loop3A_117 : i32
        %parallel_loop3A_317 = arith.addi %mul3A_99, %parallel_loop3A_117 : i32
        %parallel_loop3A_318 = arith.index_cast %parallel_loop3A_317 : i32 to index
        %parallel_loop3A_319 = arith.constant 288 : index
        %parallel_loop3A_320 = tpu.vector_load %arg8[%parallel_loop3A_318, %parallel_loop3A_319] {strides = array<i32>} : memref<64x768xf32, #tpu.memory_space<vmem>>, vector<1x16xf32>,
        %parallel_loop3A_321 = vector.shape_cast %parallel_loop3A_320 : vector<1x16xf32> to vector<16xf32>
        %parallel_loop3A_322 = arith.index_cast %parallel_loop3A_316 : i32 to index
        %parallel_loop3A_323 = arith.constant 288 : index
        %parallel_loop3A_324 = tpu.vector_load %arg7[%parallel_loop3A_322, %parallel_loop3A_323] {strides = array<i32>} : memref<64x768xf32, #tpu.memory_space<vmem>>, vector<1x16xf32>,
        %parallel_loop3A_325 = vector.shape_cast %parallel_loop3A_324 : vector<1x16xf32> to vector<16xf32>
        %parallel_loop3A_326 = vector.shape_cast %parallel_loop3A_321 : vector<16xf32> to vector<1x16xf32>
        tpu.vector_store %arg7[%parallel_loop3A_322, %parallel_loop3A_323], %parallel_loop3A_326 {add = true, strides = array<i32>} : memref<64x768xf32, #tpu.memory_space<vmem>>, vector<1x16xf32>,
        %parallel_loop3A_327 = arith.addi %mul3A_97, %parallel_loop3A_117 : i32
        %parallel_loop3A_328 = arith.addi %mul3A_99, %parallel_loop3A_117 : i32
        %parallel_loop3A_329 = arith.index_cast %parallel_loop3A_328 : i32 to index
        %parallel_loop3A_330 = arith.constant 304 : index
        %parallel_loop3A_331 = tpu.vector_load %arg8[%parallel_loop3A_329, %parallel_loop3A_330] {strides = array<i32>} : memref<64x768xf32, #tpu.memory_space<vmem>>, vector<1x16xf32>,
        %parallel_loop3A_332 = vector.shape_cast %parallel_loop3A_331 : vector<1x16xf32> to vector<16xf32>
        %parallel_loop3A_333 = arith.index_cast %parallel_loop3A_327 : i32 to index
        %parallel_loop3A_334 = arith.constant 304 : index
        %parallel_loop3A_335 = tpu.vector_load %arg7[%parallel_loop3A_333, %parallel_loop3A_334] {strides = array<i32>} : memref<64x768xf32, #tpu.memory_space<vmem>>, vector<1x16xf32>,
        %parallel_loop3A_336 = vector.shape_cast %parallel_loop3A_335 : vector<1x16xf32> to vector<16xf32>
        %parallel_loop3A_337 = vector.shape_cast %parallel_loop3A_332 : vector<16xf32> to vector<1x16xf32>
        tpu.vector_store %arg7[%parallel_loop3A_333, %parallel_loop3A_334], %parallel_loop3A_337 {add = true, strides = array<i32>} : memref<64x768xf32, #tpu.memory_space<vmem>>, vector<1x16xf32>,
        %parallel_loop3A_338 = arith.addi %mul3A_97, %parallel_loop3A_117 : i32
        %parallel_loop3A_339 = arith.addi %mul3A_99, %parallel_loop3A_117 : i32
        %parallel_loop3A_340 = arith.index_cast %parallel_loop3A_339 : i32 to index
        %parallel_loop3A_341 = arith.constant 320 : index
        %parallel_loop3A_342 = tpu.vector_load %arg8[%parallel_loop3A_340, %parallel_loop3A_341] {strides = array<i32>} : memref<64x768xf32, #tpu.memory_space<vmem>>, vector<1x16xf32>,
        %parallel_loop3A_343 = vector.shape_cast %parallel_loop3A_342 : vector<1x16xf32> to vector<16xf32>
        %parallel_loop3A_344 = arith.index_cast %parallel_loop3A_338 : i32 to index
        %parallel_loop3A_345 = arith.constant 320 : index
        %parallel_loop3A_346 = tpu.vector_load %arg7[%parallel_loop3A_344, %parallel_loop3A_345] {strides = array<i32>} : memref<64x768xf32, #tpu.memory_space<vmem>>, vector<1x16xf32>,
        %parallel_loop3A_347 = vector.shape_cast %parallel_loop3A_346 : vector<1x16xf32> to vector<16xf32>
        %parallel_loop3A_348 = vector.shape_cast %parallel_loop3A_343 : vector<16xf32> to vector<1x16xf32>
        tpu.vector_store %arg7[%parallel_loop3A_344, %parallel_loop3A_345], %parallel_loop3A_348 {add = true, strides = array<i32>} : memref<64x768xf32, #tpu.memory_space<vmem>>, vector<1x16xf32>,
        %parallel_loop3A_349 = arith.addi %mul3A_97, %parallel_loop3A_117 : i32
        %parallel_loop3A_350 = arith.addi %mul3A_99, %parallel_loop3A_117 : i32
        %parallel_loop3A_351 = arith.index_cast %parallel_loop3A_350 : i32 to index
        %parallel_loop3A_352 = arith.constant 336 : index
        %parallel_loop3A_353 = tpu.vector_load %arg8[%parallel_loop3A_351, %parallel_loop3A_352] {strides = array<i32>} : memref<64x768xf32, #tpu.memory_space<vmem>>, vector<1x16xf32>,
        %parallel_loop3A_354 = vector.shape_cast %parallel_loop3A_353 : vector<1x16xf32> to vector<16xf32>
        %parallel_loop3A_355 = arith.index_cast %parallel_loop3A_349 : i32 to index
        %parallel_loop3A_356 = arith.constant 336 : index
        %parallel_loop3A_357 = tpu.vector_load %arg7[%parallel_loop3A_355, %parallel_loop3A_356] {strides = array<i32>} : memref<64x768xf32, #tpu.memory_space<vmem>>, vector<1x16xf32>,
        %parallel_loop3A_358 = vector.shape_cast %parallel_loop3A_357 : vector<1x16xf32> to vector<16xf32>
        %parallel_loop3A_359 = vector.shape_cast %parallel_loop3A_354 : vector<16xf32> to vector<1x16xf32>
        tpu.vector_store %arg7[%parallel_loop3A_355, %parallel_loop3A_356], %parallel_loop3A_359 {add = true, strides = array<i32>} : memref<64x768xf32, #tpu.memory_space<vmem>>, vector<1x16xf32>,
        %parallel_loop3A_360 = arith.addi %mul3A_97, %parallel_loop3A_117 : i32
        %parallel_loop3A_361 = arith.addi %mul3A_99, %parallel_loop3A_117 : i32
        %parallel_loop3A_362 = arith.index_cast %parallel_loop3A_361 : i32 to index
        %parallel_loop3A_363 = arith.constant 352 : index
        %parallel_loop3A_364 = tpu.vector_load %arg8[%parallel_loop3A_362, %parallel_loop3A_363] {strides = array<i32>} : memref<64x768xf32, #tpu.memory_space<vmem>>, vector<1x16xf32>,
        %parallel_loop3A_365 = vector.shape_cast %parallel_loop3A_364 : vector<1x16xf32> to vector<16xf32>
        %parallel_loop3A_366 = arith.index_cast %parallel_loop3A_360 : i32 to index
        %parallel_loop3A_367 = arith.constant 352 : index
        %parallel_loop3A_368 = tpu.vector_load %arg7[%parallel_loop3A_366, %parallel_loop3A_367] {strides = array<i32>} : memref<64x768xf32, #tpu.memory_space<vmem>>, vector<1x16xf32>,
        %parallel_loop3A_369 = vector.shape_cast %parallel_loop3A_368 : vector<1x16xf32> to vector<16xf32>
        %parallel_loop3A_370 = vector.shape_cast %parallel_loop3A_365 : vector<16xf32> to vector<1x16xf32>
        tpu.vector_store %arg7[%parallel_loop3A_366, %parallel_loop3A_367], %parallel_loop3A_370 {add = true, strides = array<i32>} : memref<64x768xf32, #tpu.memory_space<vmem>>, vector<1x16xf32>,
        %parallel_loop3A_371 = arith.addi %mul3A_97, %parallel_loop3A_117 : i32
        %parallel_loop3A_372 = arith.addi %mul3A_99, %parallel_loop3A_117 : i32
        %parallel_loop3A_373 = arith.index_cast %parallel_loop3A_372 : i32 to index
        %parallel_loop3A_374 = arith.constant 368 : index
        %parallel_loop3A_375 = tpu.vector_load %arg8[%parallel_loop3A_373, %parallel_loop3A_374] {strides = array<i32>} : memref<64x768xf32, #tpu.memory_space<vmem>>, vector<1x16xf32>,
        %parallel_loop3A_376 = vector.shape_cast %parallel_loop3A_375 : vector<1x16xf32> to vector<16xf32>
        %parallel_loop3A_377 = arith.index_cast %parallel_loop3A_371 : i32 to index
        %parallel_loop3A_378 = arith.constant 368 : index
        %parallel_loop3A_379 = tpu.vector_load %arg7[%parallel_loop3A_377, %parallel_loop3A_378] {strides = array<i32>} : memref<64x768xf32, #tpu.memory_space<vmem>>, vector<1x16xf32>,
        %parallel_loop3A_380 = vector.shape_cast %parallel_loop3A_379 : vector<1x16xf32> to vector<16xf32>
        %parallel_loop3A_381 = vector.shape_cast %parallel_loop3A_376 : vector<16xf32> to vector<1x16xf32>
        tpu.vector_store %arg7[%parallel_loop3A_377, %parallel_loop3A_378], %parallel_loop3A_381 {add = true, strides = array<i32>} : memref<64x768xf32, #tpu.memory_space<vmem>>, vector<1x16xf32>,
        %parallel_loop3A_382 = arith.addi %mul3A_97, %parallel_loop3A_117 : i32
        %parallel_loop3A_383 = arith.addi %mul3A_99, %parallel_loop3A_117 : i32
        %parallel_loop3A_384 = arith.index_cast %parallel_loop3A_383 : i32 to index
        %parallel_loop3A_385 = arith.constant 384 : index
        %parallel_loop3A_386 = tpu.vector_load %arg8[%parallel_loop3A_384, %parallel_loop3A_385] {strides = array<i32>} : memref<64x768xf32, #tpu.memory_space<vmem>>, vector<1x16xf32>,
        %parallel_loop3A_387 = vector.shape_cast %parallel_loop3A_386 : vector<1x16xf32> to vector<16xf32>
        %parallel_loop3A_388 = arith.index_cast %parallel_loop3A_382 : i32 to index
        %parallel_loop3A_389 = arith.constant 384 : index
        %parallel_loop3A_390 = tpu.vector_load %arg7[%parallel_loop3A_388, %parallel_loop3A_389] {strides = array<i32>} : memref<64x768xf32, #tpu.memory_space<vmem>>, vector<1x16xf32>,
        %parallel_loop3A_391 = vector.shape_cast %parallel_loop3A_390 : vector<1x16xf32> to vector<16xf32>
        %parallel_loop3A_392 = vector.shape_cast %parallel_loop3A_387 : vector<16xf32> to vector<1x16xf32>
        tpu.vector_store %arg7[%parallel_loop3A_388, %parallel_loop3A_389], %parallel_loop3A_392 {add = true, strides = array<i32>} : memref<64x768xf32, #tpu.memory_space<vmem>>, vector<1x16xf32>,
        %parallel_loop3A_393 = arith.addi %mul3A_97, %parallel_loop3A_117 : i32
        %parallel_loop3A_394 = arith.addi %mul3A_99, %parallel_loop3A_117 : i32
        %parallel_loop3A_395 = arith.index_cast %parallel_loop3A_394 : i32 to index
        %parallel_loop3A_396 = arith.constant 400 : index
        %parallel_loop3A_397 = tpu.vector_load %arg8[%parallel_loop3A_395, %parallel_loop3A_396] {strides = array<i32>} : memref<64x768xf32, #tpu.memory_space<vmem>>, vector<1x16xf32>,
        %parallel_loop3A_398 = vector.shape_cast %parallel_loop3A_397 : vector<1x16xf32> to vector<16xf32>
        %parallel_loop3A_399 = arith.index_cast %parallel_loop3A_393 : i32 to index
        %parallel_loop3A_400 = arith.constant 400 : index
        %parallel_loop3A_401 = tpu.vector_load %arg7[%parallel_loop3A_399, %parallel_loop3A_400] {strides = array<i32>} : memref<64x768xf32, #tpu.memory_space<vmem>>, vector<1x16xf32>,
        %parallel_loop3A_402 = vector.shape_cast %parallel_loop3A_401 : vector<1x16xf32> to vector<16xf32>
        %parallel_loop3A_403 = vector.shape_cast %parallel_loop3A_398 : vector<16xf32> to vector<1x16xf32>
        tpu.vector_store %arg7[%parallel_loop3A_399, %parallel_loop3A_400], %parallel_loop3A_403 {add = true, strides = array<i32>} : memref<64x768xf32, #tpu.memory_space<vmem>>, vector<1x16xf32>,
        %parallel_loop3A_404 = arith.addi %mul3A_97, %parallel_loop3A_117 : i32
        %parallel_loop3A_405 = arith.addi %mul3A_99, %parallel_loop3A_117 : i32
        %parallel_loop3A_406 = arith.index_cast %parallel_loop3A_405 : i32 to index
        %parallel_loop3A_407 = arith.constant 416 : index
        %parallel_loop3A_408 = tpu.vector_load %arg8[%parallel_loop3A_406, %parallel_loop3A_407] {strides = array<i32>} : memref<64x768xf32, #tpu.memory_space<vmem>>, vector<1x16xf32>,
        %parallel_loop3A_409 = vector.shape_cast %parallel_loop3A_408 : vector<1x16xf32> to vector<16xf32>
        %parallel_loop3A_410 = arith.index_cast %parallel_loop3A_404 : i32 to index
        %parallel_loop3A_411 = arith.constant 416 : index
        %parallel_loop3A_412 = tpu.vector_load %arg7[%parallel_loop3A_410, %parallel_loop3A_411] {strides = array<i32>} : memref<64x768xf32, #tpu.memory_space<vmem>>, vector<1x16xf32>,
        %parallel_loop3A_413 = vector.shape_cast %parallel_loop3A_412 : vector<1x16xf32> to vector<16xf32>
        %parallel_loop3A_414 = vector.shape_cast %parallel_loop3A_409 : vector<16xf32> to vector<1x16xf32>
        tpu.vector_store %arg7[%parallel_loop3A_410, %parallel_loop3A_411], %parallel_loop3A_414 {add = true, strides = array<i32>} : memref<64x768xf32, #tpu.memory_space<vmem>>, vector<1x16xf32>,
        %parallel_loop3A_415 = arith.addi %mul3A_97, %parallel_loop3A_117 : i32
        %parallel_loop3A_416 = arith.addi %mul3A_99, %parallel_loop3A_117 : i32
        %parallel_loop3A_417 = arith.index_cast %parallel_loop3A_416 : i32 to index
        %parallel_loop3A_418 = arith.constant 432 : index
        %parallel_loop3A_419 = tpu.vector_load %arg8[%parallel_loop3A_417, %parallel_loop3A_418] {strides = array<i32>} : memref<64x768xf32, #tpu.memory_space<vmem>>, vector<1x16xf32>,
        %parallel_loop3A_420 = vector.shape_cast %parallel_loop3A_419 : vector<1x16xf32> to vector<16xf32>
        %parallel_loop3A_421 = arith.index_cast %parallel_loop3A_415 : i32 to index
        %parallel_loop3A_422 = arith.constant 432 : index
        %parallel_loop3A_423 = tpu.vector_load %arg7[%parallel_loop3A_421, %parallel_loop3A_422] {strides = array<i32>} : memref<64x768xf32, #tpu.memory_space<vmem>>, vector<1x16xf32>,
        %parallel_loop3A_424 = vector.shape_cast %parallel_loop3A_423 : vector<1x16xf32> to vector<16xf32>
        %parallel_loop3A_425 = vector.shape_cast %parallel_loop3A_420 : vector<16xf32> to vector<1x16xf32>
        tpu.vector_store %arg7[%parallel_loop3A_421, %parallel_loop3A_422], %parallel_loop3A_425 {add = true, strides = array<i32>} : memref<64x768xf32, #tpu.memory_space<vmem>>, vector<1x16xf32>,
        %parallel_loop3A_426 = arith.addi %mul3A_97, %parallel_loop3A_117 : i32
        %parallel_loop3A_427 = arith.addi %mul3A_99, %parallel_loop3A_117 : i32
        %parallel_loop3A_428 = arith.index_cast %parallel_loop3A_427 : i32 to index
        %parallel_loop3A_429 = arith.constant 448 : index
        %parallel_loop3A_430 = tpu.vector_load %arg8[%parallel_loop3A_428, %parallel_loop3A_429] {strides = array<i32>} : memref<64x768xf32, #tpu.memory_space<vmem>>, vector<1x16xf32>,
        %parallel_loop3A_431 = vector.shape_cast %parallel_loop3A_430 : vector<1x16xf32> to vector<16xf32>
        %parallel_loop3A_432 = arith.index_cast %parallel_loop3A_426 : i32 to index
        %parallel_loop3A_433 = arith.constant 448 : index
        %parallel_loop3A_434 = tpu.vector_load %arg7[%parallel_loop3A_432, %parallel_loop3A_433] {strides = array<i32>} : memref<64x768xf32, #tpu.memory_space<vmem>>, vector<1x16xf32>,
        %parallel_loop3A_435 = vector.shape_cast %parallel_loop3A_434 : vector<1x16xf32> to vector<16xf32>
        %parallel_loop3A_436 = vector.shape_cast %parallel_loop3A_431 : vector<16xf32> to vector<1x16xf32>
        tpu.vector_store %arg7[%parallel_loop3A_432, %parallel_loop3A_433], %parallel_loop3A_436 {add = true, strides = array<i32>} : memref<64x768xf32, #tpu.memory_space<vmem>>, vector<1x16xf32>,
        %parallel_loop3A_437 = arith.addi %mul3A_97, %parallel_loop3A_117 : i32
        %parallel_loop3A_438 = arith.addi %mul3A_99, %parallel_loop3A_117 : i32
        %parallel_loop3A_439 = arith.index_cast %parallel_loop3A_438 : i32 to index
        %parallel_loop3A_440 = arith.constant 464 : index
        %parallel_loop3A_441 = tpu.vector_load %arg8[%parallel_loop3A_439, %parallel_loop3A_440] {strides = array<i32>} : memref<64x768xf32, #tpu.memory_space<vmem>>, vector<1x16xf32>,
        %parallel_loop3A_442 = vector.shape_cast %parallel_loop3A_441 : vector<1x16xf32> to vector<16xf32>
        %parallel_loop3A_443 = arith.index_cast %parallel_loop3A_437 : i32 to index
        %parallel_loop3A_444 = arith.constant 464 : index
        %parallel_loop3A_445 = tpu.vector_load %arg7[%parallel_loop3A_443, %parallel_loop3A_444] {strides = array<i32>} : memref<64x768xf32, #tpu.memory_space<vmem>>, vector<1x16xf32>,
        %parallel_loop3A_446 = vector.shape_cast %parallel_loop3A_445 : vector<1x16xf32> to vector<16xf32>
        %parallel_loop3A_447 = vector.shape_cast %parallel_loop3A_442 : vector<16xf32> to vector<1x16xf32>
        tpu.vector_store %arg7[%parallel_loop3A_443, %parallel_loop3A_444], %parallel_loop3A_447 {add = true, strides = array<i32>} : memref<64x768xf32, #tpu.memory_space<vmem>>, vector<1x16xf32>,
        %parallel_loop3A_448 = arith.addi %mul3A_97, %parallel_loop3A_117 : i32
        %parallel_loop3A_449 = arith.addi %mul3A_99, %parallel_loop3A_117 : i32
        %parallel_loop3A_450 = arith.index_cast %parallel_loop3A_449 : i32 to index
        %parallel_loop3A_451 = arith.constant 480 : index
        %parallel_loop3A_452 = tpu.vector_load %arg8[%parallel_loop3A_450, %parallel_loop3A_451] {strides = array<i32>} : memref<64x768xf32, #tpu.memory_space<vmem>>, vector<1x16xf32>,
        %parallel_loop3A_453 = vector.shape_cast %parallel_loop3A_452 : vector<1x16xf32> to vector<16xf32>
        %parallel_loop3A_454 = arith.index_cast %parallel_loop3A_448 : i32 to index
        %parallel_loop3A_455 = arith.constant 480 : index
        %parallel_loop3A_456 = tpu.vector_load %arg7[%parallel_loop3A_454, %parallel_loop3A_455] {strides = array<i32>} : memref<64x768xf32, #tpu.memory_space<vmem>>, vector<1x16xf32>,
        %parallel_loop3A_457 = vector.shape_cast %parallel_loop3A_456 : vector<1x16xf32> to vector<16xf32>
        %parallel_loop3A_458 = vector.shape_cast %parallel_loop3A_453 : vector<16xf32> to vector<1x16xf32>
        tpu.vector_store %arg7[%parallel_loop3A_454, %parallel_loop3A_455], %parallel_loop3A_458 {add = true, strides = array<i32>} : memref<64x768xf32, #tpu.memory_space<vmem>>, vector<1x16xf32>,
        %parallel_loop3A_459 = arith.addi %mul3A_97, %parallel_loop3A_117 : i32
        %parallel_loop3A_460 = arith.addi %mul3A_99, %parallel_loop3A_117 : i32
        %parallel_loop3A_461 = arith.index_cast %parallel_loop3A_460 : i32 to index
        %parallel_loop3A_462 = arith.constant 496 : index
        %parallel_loop3A_463 = tpu.vector_load %arg8[%parallel_loop3A_461, %parallel_loop3A_462] {strides = array<i32>} : memref<64x768xf32, #tpu.memory_space<vmem>>, vector<1x16xf32>,
        %parallel_loop3A_464 = vector.shape_cast %parallel_loop3A_463 : vector<1x16xf32> to vector<16xf32>
        %parallel_loop3A_465 = arith.index_cast %parallel_loop3A_459 : i32 to index
        %parallel_loop3A_466 = arith.constant 496 : index
        %parallel_loop3A_467 = tpu.vector_load %arg7[%parallel_loop3A_465, %parallel_loop3A_466] {strides = array<i32>} : memref<64x768xf32, #tpu.memory_space<vmem>>, vector<1x16xf32>,
        %parallel_loop3A_468 = vector.shape_cast %parallel_loop3A_467 : vector<1x16xf32> to vector<16xf32>
        %parallel_loop3A_469 = vector.shape_cast %parallel_loop3A_464 : vector<16xf32> to vector<1x16xf32>
        tpu.vector_store %arg7[%parallel_loop3A_465, %parallel_loop3A_466], %parallel_loop3A_469 {add = true, strides = array<i32>} : memref<64x768xf32, #tpu.memory_space<vmem>>, vector<1x16xf32>,
        %parallel_loop3A_470 = arith.addi %mul3A_97, %parallel_loop3A_117 : i32
        %parallel_loop3A_471 = arith.addi %mul3A_99, %parallel_loop3A_117 : i32
        %parallel_loop3A_472 = arith.index_cast %parallel_loop3A_471 : i32 to index
        %parallel_loop3A_473 = arith.constant 512 : index
        %parallel_loop3A_474 = tpu.vector_load %arg8[%parallel_loop3A_472, %parallel_loop3A_473] {strides = array<i32>} : memref<64x768xf32, #tpu.memory_space<vmem>>, vector<1x16xf32>,
        %parallel_loop3A_475 = vector.shape_cast %parallel_loop3A_474 : vector<1x16xf32> to vector<16xf32>
        %parallel_loop3A_476 = arith.index_cast %parallel_loop3A_470 : i32 to index
        %parallel_loop3A_477 = arith.constant 512 : index
        %parallel_loop3A_478 = tpu.vector_load %arg7[%parallel_loop3A_476, %parallel_loop3A_477] {strides = array<i32>} : memref<64x768xf32, #tpu.memory_space<vmem>>, vector<1x16xf32>,
        %parallel_loop3A_479 = vector.shape_cast %parallel_loop3A_478 : vector<1x16xf32> to vector<16xf32>
        %parallel_loop3A_480 = vector.shape_cast %parallel_loop3A_475 : vector<16xf32> to vector<1x16xf32>
        tpu.vector_store %arg7[%parallel_loop3A_476, %parallel_loop3A_477], %parallel_loop3A_480 {add = true, strides = array<i32>} : memref<64x768xf32, #tpu.memory_space<vmem>>, vector<1x16xf32>,
        %parallel_loop3A_481 = arith.addi %mul3A_97, %parallel_loop3A_117 : i32
        %parallel_loop3A_482 = arith.addi %mul3A_99, %parallel_loop3A_117 : i32
        %parallel_loop3A_483 = arith.index_cast %parallel_loop3A_482 : i32 to index
        %parallel_loop3A_484 = arith.constant 528 : index
        %parallel_loop3A_485 = tpu.vector_load %arg8[%parallel_loop3A_483, %parallel_loop3A_484] {strides = array<i32>} : memref<64x768xf32, #tpu.memory_space<vmem>>, vector<1x16xf32>,
        %parallel_loop3A_486 = vector.shape_cast %parallel_loop3A_485 : vector<1x16xf32> to vector<16xf32>
        %parallel_loop3A_487 = arith.index_cast %parallel_loop3A_481 : i32 to index
        %parallel_loop3A_488 = arith.constant 528 : index
        %parallel_loop3A_489 = tpu.vector_load %arg7[%parallel_loop3A_487, %parallel_loop3A_488] {strides = array<i32>} : memref<64x768xf32, #tpu.memory_space<vmem>>, vector<1x16xf32>,
        %parallel_loop3A_490 = vector.shape_cast %parallel_loop3A_489 : vector<1x16xf32> to vector<16xf32>
        %parallel_loop3A_491 = vector.shape_cast %parallel_loop3A_486 : vector<16xf32> to vector<1x16xf32>
        tpu.vector_store %arg7[%parallel_loop3A_487, %parallel_loop3A_488], %parallel_loop3A_491 {add = true, strides = array<i32>} : memref<64x768xf32, #tpu.memory_space<vmem>>, vector<1x16xf32>,
        %parallel_loop3A_492 = arith.addi %mul3A_97, %parallel_loop3A_117 : i32
        %parallel_loop3A_493 = arith.addi %mul3A_99, %parallel_loop3A_117 : i32
        %parallel_loop3A_494 = arith.index_cast %parallel_loop3A_493 : i32 to index
        %parallel_loop3A_495 = arith.constant 544 : index
        %parallel_loop3A_496 = tpu.vector_load %arg8[%parallel_loop3A_494, %parallel_loop3A_495] {strides = array<i32>} : memref<64x768xf32, #tpu.memory_space<vmem>>, vector<1x16xf32>,
        %parallel_loop3A_497 = vector.shape_cast %parallel_loop3A_496 : vector<1x16xf32> to vector<16xf32>
        %parallel_loop3A_498 = arith.index_cast %parallel_loop3A_492 : i32 to index
        %parallel_loop3A_499 = arith.constant 544 : index
        %parallel_loop3A_500 = tpu.vector_load %arg7[%parallel_loop3A_498, %parallel_loop3A_499] {strides = array<i32>} : memref<64x768xf32, #tpu.memory_space<vmem>>, vector<1x16xf32>,
        %parallel_loop3A_501 = vector.shape_cast %parallel_loop3A_500 : vector<1x16xf32> to vector<16xf32>
        %parallel_loop3A_502 = vector.shape_cast %parallel_loop3A_497 : vector<16xf32> to vector<1x16xf32>
        tpu.vector_store %arg7[%parallel_loop3A_498, %parallel_loop3A_499], %parallel_loop3A_502 {add = true, strides = array<i32>} : memref<64x768xf32, #tpu.memory_space<vmem>>, vector<1x16xf32>,
        %parallel_loop3A_503 = arith.addi %mul3A_97, %parallel_loop3A_117 : i32
        %parallel_loop3A_504 = arith.addi %mul3A_99, %parallel_loop3A_117 : i32
        %parallel_loop3A_505 = arith.index_cast %parallel_loop3A_504 : i32 to index
        %parallel_loop3A_506 = arith.constant 560 : index
        %parallel_loop3A_507 = tpu.vector_load %arg8[%parallel_loop3A_505, %parallel_loop3A_506] {strides = array<i32>} : memref<64x768xf32, #tpu.memory_space<vmem>>, vector<1x16xf32>,
        %parallel_loop3A_508 = vector.shape_cast %parallel_loop3A_507 : vector<1x16xf32> to vector<16xf32>
        %parallel_loop3A_509 = arith.index_cast %parallel_loop3A_503 : i32 to index
        %parallel_loop3A_510 = arith.constant 560 : index
        %parallel_loop3A_511 = tpu.vector_load %arg7[%parallel_loop3A_509, %parallel_loop3A_510] {strides = array<i32>} : memref<64x768xf32, #tpu.memory_space<vmem>>, vector<1x16xf32>,
        %parallel_loop3A_512 = vector.shape_cast %parallel_loop3A_511 : vector<1x16xf32> to vector<16xf32>
        %parallel_loop3A_513 = vector.shape_cast %parallel_loop3A_508 : vector<16xf32> to vector<1x16xf32>
        tpu.vector_store %arg7[%parallel_loop3A_509, %parallel_loop3A_510], %parallel_loop3A_513 {add = true, strides = array<i32>} : memref<64x768xf32, #tpu.memory_space<vmem>>, vector<1x16xf32>,
        %parallel_loop3A_514 = arith.addi %mul3A_97, %parallel_loop3A_117 : i32
        %parallel_loop3A_515 = arith.addi %mul3A_99, %parallel_loop3A_117 : i32
        %parallel_loop3A_516 = arith.index_cast %parallel_loop3A_515 : i32 to index
        %parallel_loop3A_517 = arith.constant 576 : index
        %parallel_loop3A_518 = tpu.vector_load %arg8[%parallel_loop3A_516, %parallel_loop3A_517] {strides = array<i32>} : memref<64x768xf32, #tpu.memory_space<vmem>>, vector<1x16xf32>,
        %parallel_loop3A_519 = vector.shape_cast %parallel_loop3A_518 : vector<1x16xf32> to vector<16xf32>
        %parallel_loop3A_520 = arith.index_cast %parallel_loop3A_514 : i32 to index
        %parallel_loop3A_521 = arith.constant 576 : index
        %parallel_loop3A_522 = tpu.vector_load %arg7[%parallel_loop3A_520, %parallel_loop3A_521] {strides = array<i32>} : memref<64x768xf32, #tpu.memory_space<vmem>>, vector<1x16xf32>,
        %parallel_loop3A_523 = vector.shape_cast %parallel_loop3A_522 : vector<1x16xf32> to vector<16xf32>
        %parallel_loop3A_524 = vector.shape_cast %parallel_loop3A_519 : vector<16xf32> to vector<1x16xf32>
        tpu.vector_store %arg7[%parallel_loop3A_520, %parallel_loop3A_521], %parallel_loop3A_524 {add = true, strides = array<i32>} : memref<64x768xf32, #tpu.memory_space<vmem>>, vector<1x16xf32>,
        %parallel_loop3A_525 = arith.addi %mul3A_97, %parallel_loop3A_117 : i32
        %parallel_loop3A_526 = arith.addi %mul3A_99, %parallel_loop3A_117 : i32
        %parallel_loop3A_527 = arith.index_cast %parallel_loop3A_526 : i32 to index
        %parallel_loop3A_528 = arith.constant 592 : index
        %parallel_loop3A_529 = tpu.vector_load %arg8[%parallel_loop3A_527, %parallel_loop3A_528] {strides = array<i32>} : memref<64x768xf32, #tpu.memory_space<vmem>>, vector<1x16xf32>,
        %parallel_loop3A_530 = vector.shape_cast %parallel_loop3A_529 : vector<1x16xf32> to vector<16xf32>
        %parallel_loop3A_531 = arith.index_cast %parallel_loop3A_525 : i32 to index
        %parallel_loop3A_532 = arith.constant 592 : index
        %parallel_loop3A_533 = tpu.vector_load %arg7[%parallel_loop3A_531, %parallel_loop3A_532] {strides = array<i32>} : memref<64x768xf32, #tpu.memory_space<vmem>>, vector<1x16xf32>,
        %parallel_loop3A_534 = vector.shape_cast %parallel_loop3A_533 : vector<1x16xf32> to vector<16xf32>
        %parallel_loop3A_535 = vector.shape_cast %parallel_loop3A_530 : vector<16xf32> to vector<1x16xf32>
        tpu.vector_store %arg7[%parallel_loop3A_531, %parallel_loop3A_532], %parallel_loop3A_535 {add = true, strides = array<i32>} : memref<64x768xf32, #tpu.memory_space<vmem>>, vector<1x16xf32>,
        %parallel_loop3A_536 = arith.addi %mul3A_97, %parallel_loop3A_117 : i32
        %parallel_loop3A_537 = arith.addi %mul3A_99, %parallel_loop3A_117 : i32
        %parallel_loop3A_538 = arith.index_cast %parallel_loop3A_537 : i32 to index
        %parallel_loop3A_539 = arith.constant 608 : index
        %parallel_loop3A_540 = tpu.vector_load %arg8[%parallel_loop3A_538, %parallel_loop3A_539] {strides = array<i32>} : memref<64x768xf32, #tpu.memory_space<vmem>>, vector<1x16xf32>,
        %parallel_loop3A_541 = vector.shape_cast %parallel_loop3A_540 : vector<1x16xf32> to vector<16xf32>
        %parallel_loop3A_542 = arith.index_cast %parallel_loop3A_536 : i32 to index
        %parallel_loop3A_543 = arith.constant 608 : index
        %parallel_loop3A_544 = tpu.vector_load %arg7[%parallel_loop3A_542, %parallel_loop3A_543] {strides = array<i32>} : memref<64x768xf32, #tpu.memory_space<vmem>>, vector<1x16xf32>,
        %parallel_loop3A_545 = vector.shape_cast %parallel_loop3A_544 : vector<1x16xf32> to vector<16xf32>
        %parallel_loop3A_546 = vector.shape_cast %parallel_loop3A_541 : vector<16xf32> to vector<1x16xf32>
        tpu.vector_store %arg7[%parallel_loop3A_542, %parallel_loop3A_543], %parallel_loop3A_546 {add = true, strides = array<i32>} : memref<64x768xf32, #tpu.memory_space<vmem>>, vector<1x16xf32>,
        %parallel_loop3A_547 = arith.addi %mul3A_97, %parallel_loop3A_117 : i32
        %parallel_loop3A_548 = arith.addi %mul3A_99, %parallel_loop3A_117 : i32
        %parallel_loop3A_549 = arith.index_cast %parallel_loop3A_548 : i32 to index
        %parallel_loop3A_550 = arith.constant 624 : index
        %parallel_loop3A_551 = tpu.vector_load %arg8[%parallel_loop3A_549, %parallel_loop3A_550] {strides = array<i32>} : memref<64x768xf32, #tpu.memory_space<vmem>>, vector<1x16xf32>,
        %parallel_loop3A_552 = vector.shape_cast %parallel_loop3A_551 : vector<1x16xf32> to vector<16xf32>
        %parallel_loop3A_553 = arith.index_cast %parallel_loop3A_547 : i32 to index
        %parallel_loop3A_554 = arith.constant 624 : index
        %parallel_loop3A_555 = tpu.vector_load %arg7[%parallel_loop3A_553, %parallel_loop3A_554] {strides = array<i32>} : memref<64x768xf32, #tpu.memory_space<vmem>>, vector<1x16xf32>,
        %parallel_loop3A_556 = vector.shape_cast %parallel_loop3A_555 : vector<1x16xf32> to vector<16xf32>
        %parallel_loop3A_557 = vector.shape_cast %parallel_loop3A_552 : vector<16xf32> to vector<1x16xf32>
        tpu.vector_store %arg7[%parallel_loop3A_553, %parallel_loop3A_554], %parallel_loop3A_557 {add = true, strides = array<i32>} : memref<64x768xf32, #tpu.memory_space<vmem>>, vector<1x16xf32>,
        %parallel_loop3A_558 = arith.addi %mul3A_97, %parallel_loop3A_117 : i32
        %parallel_loop3A_559 = arith.addi %mul3A_99, %parallel_loop3A_117 : i32
        %parallel_loop3A_560 = arith.index_cast %parallel_loop3A_559 : i32 to index
        %parallel_loop3A_561 = arith.constant 640 : index
        %parallel_loop3A_562 = tpu.vector_load %arg8[%parallel_loop3A_560, %parallel_loop3A_561] {strides = array<i32>} : memref<64x768xf32, #tpu.memory_space<vmem>>, vector<1x16xf32>,
        %parallel_loop3A_563 = vector.shape_cast %parallel_loop3A_562 : vector<1x16xf32> to vector<16xf32>
        %parallel_loop3A_564 = arith.index_cast %parallel_loop3A_558 : i32 to index
        %parallel_loop3A_565 = arith.constant 640 : index
        %parallel_loop3A_566 = tpu.vector_load %arg7[%parallel_loop3A_564, %parallel_loop3A_565] {strides = array<i32>} : memref<64x768xf32, #tpu.memory_space<vmem>>, vector<1x16xf32>,
        %parallel_loop3A_567 = vector.shape_cast %parallel_loop3A_566 : vector<1x16xf32> to vector<16xf32>
        %parallel_loop3A_568 = vector.shape_cast %parallel_loop3A_563 : vector<16xf32> to vector<1x16xf32>
        tpu.vector_store %arg7[%parallel_loop3A_564, %parallel_loop3A_565], %parallel_loop3A_568 {add = true, strides = array<i32>} : memref<64x768xf32, #tpu.memory_space<vmem>>, vector<1x16xf32>,
        %parallel_loop3A_569 = arith.addi %mul3A_97, %parallel_loop3A_117 : i32
        %parallel_loop3A_570 = arith.addi %mul3A_99, %parallel_loop3A_117 : i32
        %parallel_loop3A_571 = arith.index_cast %parallel_loop3A_570 : i32 to index
        %parallel_loop3A_572 = arith.constant 656 : index
        %parallel_loop3A_573 = tpu.vector_load %arg8[%parallel_loop3A_571, %parallel_loop3A_572] {strides = array<i32>} : memref<64x768xf32, #tpu.memory_space<vmem>>, vector<1x16xf32>,
        %parallel_loop3A_574 = vector.shape_cast %parallel_loop3A_573 : vector<1x16xf32> to vector<16xf32>
        %parallel_loop3A_575 = arith.index_cast %parallel_loop3A_569 : i32 to index
        %parallel_loop3A_576 = arith.constant 656 : index
        %parallel_loop3A_577 = tpu.vector_load %arg7[%parallel_loop3A_575, %parallel_loop3A_576] {strides = array<i32>} : memref<64x768xf32, #tpu.memory_space<vmem>>, vector<1x16xf32>,
        %parallel_loop3A_578 = vector.shape_cast %parallel_loop3A_577 : vector<1x16xf32> to vector<16xf32>
        %parallel_loop3A_579 = vector.shape_cast %parallel_loop3A_574 : vector<16xf32> to vector<1x16xf32>
        tpu.vector_store %arg7[%parallel_loop3A_575, %parallel_loop3A_576], %parallel_loop3A_579 {add = true, strides = array<i32>} : memref<64x768xf32, #tpu.memory_space<vmem>>, vector<1x16xf32>,
        %parallel_loop3A_580 = arith.addi %mul3A_97, %parallel_loop3A_117 : i32
        %parallel_loop3A_581 = arith.addi %mul3A_99, %parallel_loop3A_117 : i32
        %parallel_loop3A_582 = arith.index_cast %parallel_loop3A_581 : i32 to index
        %parallel_loop3A_583 = arith.constant 672 : index
        %parallel_loop3A_584 = tpu.vector_load %arg8[%parallel_loop3A_582, %parallel_loop3A_583] {strides = array<i32>} : memref<64x768xf32, #tpu.memory_space<vmem>>, vector<1x16xf32>,
        %parallel_loop3A_585 = vector.shape_cast %parallel_loop3A_584 : vector<1x16xf32> to vector<16xf32>
        %parallel_loop3A_586 = arith.index_cast %parallel_loop3A_580 : i32 to index
        %parallel_loop3A_587 = arith.constant 672 : index
        %parallel_loop3A_588 = tpu.vector_load %arg7[%parallel_loop3A_586, %parallel_loop3A_587] {strides = array<i32>} : memref<64x768xf32, #tpu.memory_space<vmem>>, vector<1x16xf32>,
        %parallel_loop3A_589 = vector.shape_cast %parallel_loop3A_588 : vector<1x16xf32> to vector<16xf32>
        %parallel_loop3A_590 = vector.shape_cast %parallel_loop3A_585 : vector<16xf32> to vector<1x16xf32>
        tpu.vector_store %arg7[%parallel_loop3A_586, %parallel_loop3A_587], %parallel_loop3A_590 {add = true, strides = array<i32>} : memref<64x768xf32, #tpu.memory_space<vmem>>, vector<1x16xf32>,
        %parallel_loop3A_591 = arith.addi %mul3A_97, %parallel_loop3A_117 : i32
        %parallel_loop3A_592 = arith.addi %mul3A_99, %parallel_loop3A_117 : i32
        %parallel_loop3A_593 = arith.index_cast %parallel_loop3A_592 : i32 to index
        %parallel_loop3A_594 = arith.constant 688 : index
        %parallel_loop3A_595 = tpu.vector_load %arg8[%parallel_loop3A_593, %parallel_loop3A_594] {strides = array<i32>} : memref<64x768xf32, #tpu.memory_space<vmem>>, vector<1x16xf32>,
        %parallel_loop3A_596 = vector.shape_cast %parallel_loop3A_595 : vector<1x16xf32> to vector<16xf32>
        %parallel_loop3A_597 = arith.index_cast %parallel_loop3A_591 : i32 to index
        %parallel_loop3A_598 = arith.constant 688 : index
        %parallel_loop3A_599 = tpu.vector_load %arg7[%parallel_loop3A_597, %parallel_loop3A_598] {strides = array<i32>} : memref<64x768xf32, #tpu.memory_space<vmem>>, vector<1x16xf32>,
        %parallel_loop3A_600 = vector.shape_cast %parallel_loop3A_599 : vector<1x16xf32> to vector<16xf32>
        %parallel_loop3A_601 = vector.shape_cast %parallel_loop3A_596 : vector<16xf32> to vector<1x16xf32>
        tpu.vector_store %arg7[%parallel_loop3A_597, %parallel_loop3A_598], %parallel_loop3A_601 {add = true, strides = array<i32>} : memref<64x768xf32, #tpu.memory_space<vmem>>, vector<1x16xf32>,
        %parallel_loop3A_602 = arith.addi %mul3A_97, %parallel_loop3A_117 : i32
        %parallel_loop3A_603 = arith.addi %mul3A_99, %parallel_loop3A_117 : i32
        %parallel_loop3A_604 = arith.index_cast %parallel_loop3A_603 : i32 to index
        %parallel_loop3A_605 = arith.constant 704 : index
        %parallel_loop3A_606 = tpu.vector_load %arg8[%parallel_loop3A_604, %parallel_loop3A_605] {strides = array<i32>} : memref<64x768xf32, #tpu.memory_space<vmem>>, vector<1x16xf32>,
        %parallel_loop3A_607 = vector.shape_cast %parallel_loop3A_606 : vector<1x16xf32> to vector<16xf32>
        %parallel_loop3A_608 = arith.index_cast %parallel_loop3A_602 : i32 to index
        %parallel_loop3A_609 = arith.constant 704 : index
        %parallel_loop3A_610 = tpu.vector_load %arg7[%parallel_loop3A_608, %parallel_loop3A_609] {strides = array<i32>} : memref<64x768xf32, #tpu.memory_space<vmem>>, vector<1x16xf32>,
        %parallel_loop3A_611 = vector.shape_cast %parallel_loop3A_610 : vector<1x16xf32> to vector<16xf32>
        %parallel_loop3A_612 = vector.shape_cast %parallel_loop3A_607 : vector<16xf32> to vector<1x16xf32>
        tpu.vector_store %arg7[%parallel_loop3A_608, %parallel_loop3A_609], %parallel_loop3A_612 {add = true, strides = array<i32>} : memref<64x768xf32, #tpu.memory_space<vmem>>, vector<1x16xf32>,
        %parallel_loop3A_613 = arith.addi %mul3A_97, %parallel_loop3A_117 : i32
        %parallel_loop3A_614 = arith.addi %mul3A_99, %parallel_loop3A_117 : i32
        %parallel_loop3A_615 = arith.index_cast %parallel_loop3A_614 : i32 to index
        %parallel_loop3A_616 = arith.constant 720 : index
        %parallel_loop3A_617 = tpu.vector_load %arg8[%parallel_loop3A_615, %parallel_loop3A_616] {strides = array<i32>} : memref<64x768xf32, #tpu.memory_space<vmem>>, vector<1x16xf32>,
        %parallel_loop3A_618 = vector.shape_cast %parallel_loop3A_617 : vector<1x16xf32> to vector<16xf32>
        %parallel_loop3A_619 = arith.index_cast %parallel_loop3A_613 : i32 to index
        %parallel_loop3A_620 = arith.constant 720 : index
        %parallel_loop3A_621 = tpu.vector_load %arg7[%parallel_loop3A_619, %parallel_loop3A_620] {strides = array<i32>} : memref<64x768xf32, #tpu.memory_space<vmem>>, vector<1x16xf32>,
        %parallel_loop3A_622 = vector.shape_cast %parallel_loop3A_621 : vector<1x16xf32> to vector<16xf32>
        %parallel_loop3A_623 = vector.shape_cast %parallel_loop3A_618 : vector<16xf32> to vector<1x16xf32>
        tpu.vector_store %arg7[%parallel_loop3A_619, %parallel_loop3A_620], %parallel_loop3A_623 {add = true, strides = array<i32>} : memref<64x768xf32, #tpu.memory_space<vmem>>, vector<1x16xf32>,
        %parallel_loop3A_624 = arith.addi %mul3A_97, %parallel_loop3A_117 : i32
        %parallel_loop3A_625 = arith.addi %mul3A_99, %parallel_loop3A_117 : i32
        %parallel_loop3A_626 = arith.index_cast %parallel_loop3A_625 : i32 to index
        %parallel_loop3A_627 = arith.constant 736 : index
        %parallel_loop3A_628 = tpu.vector_load %arg8[%parallel_loop3A_626, %parallel_loop3A_627] {strides = array<i32>} : memref<64x768xf32, #tpu.memory_space<vmem>>, vector<1x16xf32>,
        %parallel_loop3A_629 = vector.shape_cast %parallel_loop3A_628 : vector<1x16xf32> to vector<16xf32>
        %parallel_loop3A_630 = arith.index_cast %parallel_loop3A_624 : i32 to index
        %parallel_loop3A_631 = arith.constant 736 : index
        %parallel_loop3A_632 = tpu.vector_load %arg7[%parallel_loop3A_630, %parallel_loop3A_631] {strides = array<i32>} : memref<64x768xf32, #tpu.memory_space<vmem>>, vector<1x16xf32>,
        %parallel_loop3A_633 = vector.shape_cast %parallel_loop3A_632 : vector<1x16xf32> to vector<16xf32>
        %parallel_loop3A_634 = vector.shape_cast %parallel_loop3A_629 : vector<16xf32> to vector<1x16xf32>
        tpu.vector_store %arg7[%parallel_loop3A_630, %parallel_loop3A_631], %parallel_loop3A_634 {add = true, strides = array<i32>} : memref<64x768xf32, #tpu.memory_space<vmem>>, vector<1x16xf32>,
        %parallel_loop3A_635 = arith.addi %mul3A_97, %parallel_loop3A_117 : i32
        %parallel_loop3A_636 = arith.addi %mul3A_99, %parallel_loop3A_117 : i32
        %parallel_loop3A_637 = arith.index_cast %parallel_loop3A_636 : i32 to index
        %parallel_loop3A_638 = arith.constant 752 : index
        %parallel_loop3A_639 = tpu.vector_load %arg8[%parallel_loop3A_637, %parallel_loop3A_638] {strides = array<i32>} : memref<64x768xf32, #tpu.memory_space<vmem>>, vector<1x16xf32>,
        %parallel_loop3A_640 = vector.shape_cast %parallel_loop3A_639 : vector<1x16xf32> to vector<16xf32>
        %parallel_loop3A_641 = arith.index_cast %parallel_loop3A_635 : i32 to index
        %parallel_loop3A_642 = arith.constant 752 : index
        %parallel_loop3A_643 = tpu.vector_load %arg7[%parallel_loop3A_641, %parallel_loop3A_642] {strides = array<i32>} : memref<64x768xf32, #tpu.memory_space<vmem>>, vector<1x16xf32>,
        %parallel_loop3A_644 = vector.shape_cast %parallel_loop3A_643 : vector<1x16xf32> to vector<16xf32>
        %parallel_loop3A_645 = vector.shape_cast %parallel_loop3A_640 : vector<16xf32> to vector<1x16xf32>
        tpu.vector_store %arg7[%parallel_loop3A_641, %parallel_loop3A_642], %parallel_loop3A_645 {add = true, strides = array<i32>} : memref<64x768xf32, #tpu.memory_space<vmem>>, vector<1x16xf32>,
      } {sc.loop_unroll_factor = 2 : i64, sc.parallel_access}
      %mul3A_102 = arith.constant 32 : i32
      %mul3A_103 = arith.muli %shift_right_arithmetic3A_58, %mul3A_102 : i32
      %add3A_104 = arith.addi %mul3A_2, %mul3A_103 : i32
      %dma_start3A_105 = arith.constant 0 : i32
      %dma_start3A_106 = tpu.memref_slice %arg7[%mul3A_97, %dma_start3A_105] : memref<64x768xf32, #tpu.memory_space<vmem>> -> memref<32x768xf32, #tpu.memory_space<vmem>>
      %dma_start3A_107 = arith.constant 0 : i32
      %dma_start3A_108 = tpu.memref_slice %arg5[%and3A_59, %add3A_104, %dma_start3A_107] : memref<4x4096x768xf32, #tpu.memory_space<hbm>> -> memref<1x32x768xf32, #tpu.memory_space<hbm>>
      %dma_start3A_109 = tpu.memref_squeeze %dma_start3A_108 : memref<1x32x768xf32, #tpu.memory_space<hbm>> -> memref<32x768xf32, #tpu.memory_space<hbm>>
      %dma_start3A_110 = tpu.memref_slice %arg12[%and3A_61] : memref<2x!tpu.dma_semaphore, #tpu.memory_space<semaphore_mem>> -> memref<1x!tpu.dma_semaphore, #tpu.memory_space<semaphore_mem>>
      %dma_start3A_111 = tpu.memref_squeeze %dma_start3A_110 : memref<1x!tpu.dma_semaphore, #tpu.memory_space<semaphore_mem>> -> memref<!tpu.dma_semaphore, #tpu.memory_space<semaphore_mem>>
      %dma_start3A_112 = arith.constant 0 : i32
      %dma_start3A_113 = tpu.memref_slice %arg5[%and3A_59, %add3A_104, %dma_start3A_112] : memref<4x4096x768xf32, #tpu.memory_space<hbm>> -> memref<1x32x768xf32, #tpu.memory_space<hbm>>
      %dma_start3A_114 = tpu.memref_squeeze %dma_start3A_113 : memref<1x32x768xf32, #tpu.memory_space<hbm>> -> memref<32x768xf32, #tpu.memory_space<hbm>>
      %dma_start3A_115 = arith.constant 0 : i32
      %dma_start3A_116 = tpu.memref_slice %arg7[%mul3A_97, %dma_start3A_115] : memref<64x768xf32, #tpu.memory_space<vmem>> -> memref<32x768xf32, #tpu.memory_space<vmem>>
      tpu.enqueue_dma source(%dma_start3A_116 : memref<32x768xf32, #tpu.memory_space<vmem>>) target(%dma_start3A_114 : memref<32x768xf32, #tpu.memory_space<hbm>>) target_semaphore(%dma_start3A_111 : memref<!tpu.dma_semaphore, #tpu.memory_space<semaphore_mem>>)
    }
    %scan3A_41 = arith.constant 16 : i32
    %dma_wait3A_42 = arith.constant 1 : i32
    %dma_wait3A_43 = arith.constant 0 : i32
    %dma_wait3A_44 = arith.constant 0 : i32
    %dma_wait3A_45 = tpu.memref_slice %arg7[%dma_wait3A_43, %dma_wait3A_44] : memref<64x768xf32, #tpu.memory_space<vmem>> -> memref<32x768xf32, #tpu.memory_space<vmem>>
    %dma_wait3A_46 = arith.constant 0 : i32
    %dma_wait3A_47 = arith.constant 0 : i32
    %dma_wait3A_48 = tpu.memref_slice %arg4[%dma_wait3A_46, %dma_wait3A_47] : memref<4096x768xf32, #tpu.memory_space<hbm>> -> memref<32x768xf32, #tpu.memory_space<hbm>>
    %dma_wait3A_49 = tpu.memref_slice %arg12[%dma_wait3A_42] : memref<2x!tpu.dma_semaphore, #tpu.memory_space<semaphore_mem>> -> memref<1x!tpu.dma_semaphore, #tpu.memory_space<semaphore_mem>>
    %dma_wait3A_50 = tpu.memref_squeeze %dma_wait3A_49 : memref<1x!tpu.dma_semaphore, #tpu.memory_space<semaphore_mem>> -> memref<!tpu.dma_semaphore, #tpu.memory_space<semaphore_mem>>
    %dma_wait3A_51 = arith.constant 0 : i32
    %dma_wait3A_52 = arith.constant 0 : i32
    %dma_wait3A_53 = tpu.memref_slice %arg7[%dma_wait3A_51, %dma_wait3A_52] : memref<64x768xf32, #tpu.memory_space<vmem>> -> memref<32x768xf32, #tpu.memory_space<vmem>>
    %dma_wait3A_54 = arith.constant 0 : i32
    %dma_wait3A_55 = arith.constant 0 : i32
    %dma_wait3A_56 = tpu.memref_slice %arg4[%dma_wait3A_54, %dma_wait3A_55] : memref<4096x768xf32, #tpu.memory_space<hbm>> -> memref<32x768xf32, #tpu.memory_space<hbm>>
    tpu.wait_dma2 semaphore(%dma_wait3A_50 : memref<!tpu.dma_semaphore, #tpu.memory_space<semaphore_mem>>) src(%dma_wait3A_56 : memref<32x768xf32, #tpu.memory_space<hbm>>) dst(%dma_wait3A_53 : memref<32x768xf32, #tpu.memory_space<vmem>>)
    return
  }
}

</mosaic_0001>

<sc_bundles>
// kernel: _embed_add.3.cloned.1.call-start
scs
__scs_entry_jumppad:
0x0: {  	(pc) =	sbr.rel $0x88, $3  }
0x1: {  	(tag) =	ssettag $0x0;
	lr =	simm.s32 $0x1  }
0x2: {  	[smem:$0x3F9E] =	sst lr;
	_ =	strace $0xD0000000  }
0x3: {  	_ = 	snop  }
0x4: {  	_ = 	snop  }
0x5: {  	_ = 	snop  }
0x6: {  	_ = 	snop  }
0x7: {  	_ = 	snop  }
__scs_overlays_trampoline_lowered:
0x8: {  	[smem:$0x3FAD] =	sst s0  }
0x9: {  	[smem:$0x3FAE] =	sst s1  }
0xa: {  	[smem:$0x3FAF] =	sst s2  }
0xb: {  	[smem:$0x3FB0] =	sst s3  }
0xc: {  	[smem:$0x3FB1] =	sst s4  }
0xd: {  	[smem:$0x3FB2] =	sst s5  }
0xe: {  	[smem:$0x3FB3] =	sst s6  }
0xf: {  	[smem:$0x3FB4] =	sst s7  }
0x10: {  	[smem:$0x3FB5] =	sst s8  }
0x11: {  	[smem:$0x3FB6] =	sst s9;
	s0 =	simm.s32 @!p0 $0x0  }
0x12: {  	s1 =	sld [smem:$0x3F9C];
	s0 =	simm.s32 @p0 $0x1  }
0x13: {  	[smem:$0x3FB7] =	sst s0;
	s0 =	simm.s32 @!p1 $0x0  }
0x14: {  	s2 =	sld [smem:$0x3F9B];
	s0 =	simm.s32 @p1 $0x1  }
0x15: {  	[smem:$0x3FB8] =	sst s0;
	s0 =	simm.s32 @!p2 $0x0  }
0x16: {  	s3 =	sld [smem:$0x3FDB];
	s0 =	simm.s32 @p2 $0x1  }
0x17: {  	s4 =	simm.s32 $0x1BF5;
	[smem:$0x3FBA] =	sst s0  }
0x18: {  	s0 =	sld [smem:$0x3F9D];
	_ =	swait.ge [sflag:s4], $0x0  }
0x19: {  	s7 =	sld [smem:$0x3F9E]  }
0x1a: {  	s8 =	sadd.s32 $0xFFFFE003, lr  }
0x1b: {  	s9 =	sadd.s32 $0xFFFFFEF7, lr;
	s5 =	simm.s32 $0xFFFFFFFF;
	p2 =	slt.u32 s8, $0xFFFFF086  }
0x1c: {  	p1 =	slt.u32 s9, $0xF7A;
	s5 =	simm.s32 @!p2 $0x0  }
0x1d: {  	s5 =	simm.s32 @p1 $0x1;
	p0 =	seq.s32 s7, s2  }
0x1e: {  	s7 =	smul.u32 @!p0 $0xF7A, s2;
	p2 =	seq.s32 @!p0 s5, $0x0  }
0x1f: {  	s9 =	smul.u32 $0xF7A, s1;
	s8 =	simm.s32 @!p0 $0x1BF5;
	p2 =	por !p2, p0  }
0x20: {  	[sflag:s8] =	ssyncset.s32 @!p0 $0xFFFFF086;
	s6 =	sadd.s32 @!p0 s3, s7;
	s7 =	simm.s32 @!p0 $0x108  }
0x21: {  	s3 =	sadd.s32 s3, s9;
	s6 =	sadd.s32 @!p0 $0x88, s6;
	s7 =	simm.s32 @p2 $0x1082  }
0x22: {  	[simem:s7], [sflag:s8] =	dma.local @!p0 [hbm:s6], $0xF7A  }
0x23: {  	s9 =	sor.u32 $0xD0000000, s2;
	s6 =	simm.s32 $0x108;
	_ =	swait.ge @!p0 [sflag:s8], $0x0  }
0x24: {  	s3 =	sadd.s32 $0x88, s3;
	s6 =	simm.s32 @!p1 $0x1082;
	[sflag:s4] =	ssyncset.s32 $0xFFFFF086  }
0x25: {  	[simem:s6], [sflag:s4] =	dma.local [hbm:s3], $0xF7A  }
0x26: {  	[smem:$0x3F9E] =	sst s1;
	(tag) =	ssettag s2;
	_ =	strace s9  }
0x27: {  	s1 =	sld [smem:$0x3FAE]  }
0x28: {  	s2 =	sld [smem:$0x3FAF]  }
0x29: {  	s4 =	sld [smem:$0x3FB1]  }
0x2a: {  	p0 =	seq.s32 s5, $0x0;
	s5 =	sld [smem:$0x3FB2]  }
0x2b: {  	s6 =	sld [smem:$0x3FB3]  }
0x2c: {  	s7 =	sld [smem:$0x3FB4]  }
0x2d: {  	s3 =	simm.s32 $0x108;
	s8 =	sld [smem:$0x3FB5]  }
0x2e: {  	s3 =	simm.s32 @!p0 $0x1082;
	s9 =	sld [smem:$0x3FB6]  }
0x2f: {  	lr =	sadd.s32 s0, s3;
	s0 =	sld [smem:$0x3FAD]  }
0x30: {  	s3 =	sld [smem:$0x3FB0]  }
0x31: {  	[smem:$0x3FB9] =	sst s10  }
0x32: {  	s10 =	sld [smem:$0x3FB7];
	_ =	sdelay $0x3  }
0x33: {  	p0 =	seq.s32 s10, $0x1;
	s10 =	sld [smem:$0x3FB9];
	_ =	sdelay $0x3  }
0x34: {  	[smem:$0x3FB9] =	sst s10  }
0x35: {  	s10 =	sld [smem:$0x3FB8];
	_ =	sdelay $0x3  }
0x36: {  	p1 =	seq.s32 s10, $0x1;
	s10 =	sld [smem:$0x3FB9];
	_ =	sdelay $0x3  }
0x37: {  	[smem:$0x3FB9] =	sst s10  }
0x38: {  	s10 =	sld [smem:$0x3FBA]  }
0x39: {  	_ = 	snop;
	(pc) =	sbr.ind lr, $3  }
0x3a: {  	_ = 	snop  }
0x3b: {  	_ = 	snop  }
0x3c: {  	p2 =	seq.s32 s10, $0x1;
	s10 =	sld [smem:$0x3FB9]  }
0x3d: {  	_ =	shalt  }
0x3e: {  	_ =	shalt  }
0x3f: {  	_ =	shalt  }
0x40: {  	_ =	shalt  }
0x41: {  	_ =	shalt  }
0x42: {  	_ =	shalt  }
0x43: {  	_ =	shalt  }
0x44: {  	_ =	shalt  }
0x45: {  	_ =	shalt  }
0x46: {  	_ =	shalt  }
0x47: {  	_ =	shalt  }
0x48: {  	_ =	shalt  }
0x49: {  	_ =	shalt  }
0x4a: {  	_ =	shalt  }
0x4b: {  	_ =	shalt  }
0x4c: {  	_ =	shalt  }
0x4d: {  	_ =	shalt  }
0x4e: {  	_ =	shalt  }
0x4f: {  	_ =	shalt  }
0x50: {  	_ =	shalt  }
0x51: {  	_ =	shalt  }
0x52: {  	_ =	shalt  }
0x53: {  	_ =	shalt  }
0x54: {  	_ =	shalt  }
0x55: {  	_ =	shalt  }
0x56: {  	_ =	shalt  }
0x57: {  	_ =	shalt  }
0x58: {  	_ =	shalt  }
0x59: {  	_ =	shalt  }
0x5a: {  	_ =	shalt  }
0x5b: {  	_ =	shalt  }
0x5c: {  	_ =	shalt  }
0x5d: {  	_ =	shalt  }
0x5e: {  	_ =	shalt  }
0x5f: {  	_ =	shalt  }
0x60: {  	_ =	shalt  }
0x61: {  	_ =	shalt  }
0x62: {  	_ =	shalt  }
0x63: {  	_ =	shalt  }
0x64: {  	_ =	shalt  }
0x65: {  	_ =	shalt  }
0x66: {  	_ =	shalt  }
0x67: {  	_ =	shalt  }
0x68: {  	_ =	shalt  }
0x69: {  	_ =	shalt  }
0x6a: {  	_ =	shalt  }
0x6b: {  	_ =	shalt  }
0x6c: {  	_ =	shalt  }
0x6d: {  	_ =	shalt  }
0x6e: {  	_ =	shalt  }
0x6f: {  	_ =	shalt  }
0x70: {  	_ =	shalt  }
0x71: {  	_ =	shalt  }
0x72: {  	_ =	shalt  }
0x73: {  	_ =	shalt  }
0x74: {  	_ =	shalt  }
0x75: {  	_ =	shalt  }
0x76: {  	_ =	shalt  }
0x77: {  	_ =	shalt  }
0x78: {  	_ =	shalt  }
0x79: {  	_ =	shalt  }
0x7a: {  	_ =	shalt  }
0x7b: {  	_ =	shalt  }
0x7c: {  	_ =	shalt  }
0x7d: {  	_ =	shalt  }
0x7e: {  	_ =	shalt  }
0x7f: {  	_ =	shalt  }
0x80: {  	_ =	shalt  }
0x81: {  	_ =	shalt  }
0x82: {  	_ =	shalt  }
0x83: {  	_ =	shalt  }
0x84: {  	_ =	shalt  }
0x85: {  	_ =	shalt  }
0x86: {  	_ =	shalt  }
0x87: {  	_ =	shalt  }
.Lfunc_end0:
.L_simem_size_0:
called_computation_lowered:
.L_overlay_start_0:
0x88: {  	s2 =	sld [smem:$0x3FD9]  }
0x89: {  	s3 =	sld [smem:$0x3FFE];
	_ =	sdelay $0x1  }
0x8a: {  	s1 =	srdreg.scid  }
0x8b: {  	s0 =	sand.u32 $0x1, s1  }
0x8c: {  	s18 =	sshll.u32 s0, $0xA;
	s2 =	sadd.s32 s3, s2  }
0x8d: {  	s2 =	sadd.s32 s2, s18  }
0x8e: {  	[smem:$0x3FC5] =	sst s2  }
0x8f: {  	_ = 	snop  }
0x90: {  	s2 =	sld [smem:$0x3FC9]  }
0x91: {  	s19 =	sld [smem:$0x3FC8]  }
0x92: {  	s4 =	sld [smem:$0x3FC7]  }
0x93: {  	s5 =	sld [smem:$0x3FD0];
	(tm) =	ssettm $0x1  }
0x94: {  	s6 =	sld [smem:$0x3FFB];
	_ =	sdelay $0x3  }
0x95: {  	_ =	strace s6  }
0x96: {  	s6 =	sld [smem:$0x3FFC];
	_ =	sdelay $0x3  }
0x97: {  	_ =	strace s6  }
0x98: {  	s6 =	sld [smem:$0x3FFD];
	_ =	sdelay $0x3  }
0x99: {  	_ =	strace s6  }
0x9a: {  	_ =	strace $0x8FFFFFFF  }
0x9b: {  	s20 =	sld [smem:$0x3FDB];
	_ =	sdelay $0x1  }
0x9c: {  	s7 =	simm.s32 $_scs_section_size  }
0x9d: {  	s8 =	simm.s32 $_size__tile_overlayer_lowered;
	s9 =	simm.s32 $_tile_overlayer_lowered  }
0x9e: {  	s23 =	simm.s32 $0x1BFF;
	s22 =	sshll.u32 s9, $0x1;
	s6 =	sadd.s32 s7, s20  }
0x9f: {  	s10 =	simm.s32 $0x0;
	s21 =	sshll.u32 s8, $0x1;
	s8 =	sadd.s32 s22, s6  }
0xa0: {  	[timem:s10], [sflag:s23] =	dma.local [hbm:s8], s21  }
0xa1: {  	_ =	swait.ge [sflag:s23], s21  }
0xa2: {  	s7 =	ssub.s32 $0x0, s21;
	[sflag:s23] =	ssyncset.done $0x0  }
0xa3: {  	[sflag:s23] =	ssyncadd.s32 s7;
	_ =	sdelay $0x1  }
0xa4: {  	s24 =	simm.s32 $0x1B8B  }
0xa5: {  	_ =	swait.ge [sflag:s24], $0x1  }
0xa6: {  	[sflag:s24] =	ssyncset.done $0x0  }
0xa7: {  	s25 =	simm.s32 $0x1B8E;
	[sflag:s24] =	ssyncadd.s32 $0xFFFFFFFF  }
0xa8: {  	s26 =	simm.s32 $execute0_lowered;
	[smem:$0x3FD2] =	sst s25  }
0xa9: {  	s7 =	sshll.u32 s26, $0x1;
	_ =	strace $0x80000046;
	[dreg:$0x1] =	wrdreg $0xFFFFFFFF  }
0xaa: {  	s28 =	simm.s32 $_size_execute0_lowered;
	s6 =	sadd.s32 s6, s7;
	[dreg:$0x0] =	wrdreg $0x0  }
0xab: {  	s7 =	sshll.u32 s28, $0x1;
	[dreg:$0x2] =	wrdreg s6  }
0xac: {  	[dreg:$0x3] =	wrdreg s7  }
0xad: {  	[dreg:$0x4] =	wrdreg $0xC0  }
0xae: {  	_ =	task [dreg:s10], $0x5FFFF  }
0xaf: {  	[dreg:$0x1] =	wrdreg $0xFFFFFFFF  }
0xb0: {  	[dreg:$0x0] =	wrdreg $0x60  }
0xb1: {  	[dreg:$0x2] =	wrdreg s2  }
0xb2: {  	[dreg:$0x3] =	wrdreg s19  }
0xb3: {  	[dreg:$0x4] =	wrdreg s4  }
0xb4: {  	[dreg:$0x5] =	wrdreg s5  }
0xb5: {  	[dreg:$0x6] =	wrdreg $0x9  }
0xb6: {  	_ =	task.clear_ibuf [dreg:s10], $0x7FFFF;
	_ =	strace $0x90000046  }
0xb7: {  	s29 =	simm.s32 $0x9;
	_ =	strace $0x80000048  }
0xb8: {  	_ =	swait.ge [sflag:s29], $0x1  }
0xb9: {  	[sflag:s29] =	ssyncadd.s32 $0xFFFFFFFF  }
0xba: {  	_ =	strace $0x90000048  }
0xbb: {  	_ =	sfence  }
0xbc: {  	s30 =	sld [smem:$0x0];
	_ =	sdelay $0x2  }
0xbd: {  	s31 =	sshll.u32 s1, $0xD;
	s1 =	sshrl.u32 s1, $0x2  }
0xbe: {  	s3 =	sand.u32 $0x4000, s31;
	s1 =	sadd.s32 s1, s30  }
0xbf: {  	s0 =	sor.u32 s3, s0;
	s1 =	sshll.u32 s1, $0x11  }
0xc0: {  	s0 =	sor.u32 s1, s0  }
0xc1: {  	s0 =	sadd.s32 $0x8F2B, s0  }
0xc2: {  	[sflag:s0] =	ssyncadd.remote.s32 $0x1  }
0xc3: {  	_ =	sfence.sel $0xFFFF  }
0xc4: {  	[dreg:$0x0] =	wrdreg $0xFFFFFFFF;
	(pc) =	sbr.abs _section_cstart, $3  }
0xc5: {  	[dreg:$0x1] =	wrdreg $0xFFFFFFFF  }
0xc6: {  	_ =	task.clear_ibuf [dreg:s10], $0x2FFFF;
	_ =	strace $0x9FFFFFFF  }
0xc7: {  	(tm) =	ssettm $0x7FFFFFFF  }
tec
execute0_lowered:
.L_overlay_start_1:
0x0: {  	(tag) =	ssettag $0x1  }
0x1: {  	s0 =	rddreg [dreg:$0x0]  }
0x2: {  	s4 =	rddreg [dreg:$0x1];
	s1 =	srdreg.scid  }
0x3: {  	s5 =	rddreg [dreg:$0x2];
	s2 =	stileid.u32;
	s24 =	simm.s32 $0x0  }
0x4: {  	s1 =	sand.u32 $0x1, s1;
	s2 =	sshll.u32 s2, $0x8;
	[smem:$0x7FF] =	sst s24  }
0x5: {  	s29 =	sadd.s32 $0x100, s4;
	s30 =	sadd.s32 $0x200, s4;
	s3 =	sshll.u32 s1, $0x7  }
0x6: {  	s1 =	ssub.s32 $0x2, s1;
	_ =	strace $0x80000047;
	[dreg:$0x12] =	wrdreg s29  }
0x7: {  	[dreg:$0x13] =	wrdreg s30;
	s6 =	sor.u32 s3, s2;
	s25 =	sshrl.u32 s1, $0x1  }
0x8: {  	s2 =	sshrl.u32 s6, $0x3;
	s1 =	ssub.s32 s1, s25;
	s26 =	sshrl.u32 s6, $0x1  }
0x9: {  	[dreg:$0xf] =	wrdreg s6;
	s2 =	smul.u32 $0x300, s2;
	s0 =	sadd.s32 s0, s26  }
0xa: {  	v2 =	vlaneseq.u32;
	s31 =	smax.u32 s1, $0x1;
	[dreg:$0x10] =	wrdreg s0  }
0xb: {  	vm0 =	vmmov $0xffff;
	v1 =	vshrl.u32 v2, $0x3;
	[dreg:$0x14] =	wrdreg s31;
	s28 =	sadd.s32 s5, s2  }
0xc: {  	v0 =	vand.u32 $0x7, v2;
	v2 =	vor.u32 $0x8, v2;
	v1 =	vmul.u32 $0x8, v1;
	s2 =	simm.s32 $0x0;
	[dreg:$0x11] =	wrdreg s28  }
.LBB2_1:
0xd: {  	[dreg:$0x15] =	wrdreg s2  }
0xe: {  	s1 =	simm.s32 $0x0;
	s0 =	rddreg [dreg:$0x10];
	s15 =	simm.s32 $0x1  }
0xf: {  	[tilespmem:s1], [sflag:$0x1] =	stream.linear.gather [hbm4b:s0+s1], $0x200, $0x38;
	[tilespmem:$0x18200] =	vst v63  }
0x10: {  	_ =	swait.ge [sflag:s15], $0x200  }
0x11: {  	[sflag:s15] =	ssyncset.done $0x0  }
0x12: {  	s17 =	simm.s32 $0xC200;
	s16 =	rddreg [dreg:$0x11];
	[sflag:s15] =	ssyncadd.s32 $0xFFFFFE00  }
0x13: {  	[tilespmem:s17], [sflag:$0x4] =	stream.linear.gather [hbm4b:s16+s1], $0x6000, $0x38;
	[tilespmem:$0x18200] =	vst v63  }
0x14: {  	v3 =	vld [tilespmem:$0x0];
	_ =	sdelay $0x4  }
0x15: {  	v4 =	vshrl.u32 v3, $0x3  }
0x16: {  	v4 =	vmul.u32 $0x30, v4  }
0x17: {  	v3 =	vand.u32 $0x7, v3  }
0x18: {  	v3 =	vor.u32 v3, v4  }
0x19: {  	v4 =	vperm.xlane v3, v0;
	_ =	sdelay $0x1  }
0x1a: {  	v4 =	vadd.s32 v1, v4;
	_ =	sdelay $0x3  }
0x1b: {  	s19 =	simm.s32 $0x200;
	s18 =	rddreg [dreg:$0x1];
	v3 =	vperm.xlane v3, v2  }
0x1c: {  	[tilespmem:s19], [sflag:$0x2] =	stream.indirect_vreg.gather [hbm4b:s18+s1], $0x80, v4, vm0, $0xb8;
	[tilespmem:$0x18200] =	vst v63  }
0x1d: {  	s3 =	simm.s32 $0xA00;
	s20 =	rddreg [dreg:$0x12];
	v3 =	vadd.s32 v1, v3  }
0x1e: {  	[tilespmem:s3], [sflag:$0x2] =	stream.indirect_vreg.gather [hbm4b:s20+s1], $0x80, v4, vm0, $0xb8;
	[tilespmem:$0x18200] =	vst v63  }
0x1f: {  	s4 =	simm.s32 $0x1200;
	s21 =	rddreg [dreg:$0x13]  }
0x20: {  	[tilespmem:s4], [sflag:$0x2] =	stream.indirect_vreg.gather [hbm4b:s21+s1], $0x80, v4, vm0, $0xb8;
	[tilespmem:$0x18200] =	vst v63  }
0x21: {  	s22 =	simm.s32 $0x1A00  }
0x22: {  	[tilespmem:s22], [sflag:$0x2] =	stream.indirect_vreg.gather [hbm4b:s18+s1], $0x80, v3, vm0, $0xb8;
	[tilespmem:$0x18200] =	vst v63  }
0x23: {  	s23 =	simm.s32 $0x2200  }
0x24: {  	[tilespmem:s23], [sflag:$0x2] =	stream.indirect_vreg.gather [hbm4b:s20+s1], $0x80, v3, vm0, $0xb8;
	[tilespmem:$0x18200] =	vst v63  }
0x25: {  	s24 =	simm.s32 $0x2A00  }
0x26: {  	[tilespmem:s24], [sflag:$0x2] =	stream.indirect_vreg.gather [hbm4b:s21+s1], $0x80, v3, vm0, $0xb8;
	[tilespmem:$0x18200] =	vst v63  }
0x27: {  	v3 =	vld [tilespmem:$0x10];
	_ =	sdelay $0x4  }
0x28: {  	v63 =	vshrl.u32 v3, $0x3  }
0x29: {  	v4 =	vmul.u32 $0x30, v63  }
0x2a: {  	v3 =	vand.u32 $0x7, v3  }
0x2b: {  	v3 =	vor.u32 v3, v4  }
0x2c: {  	v4 =	vperm.xlane v3, v0;
	_ =	sdelay $0x1  }
0x2d: {  	v4 =	vadd.s32 v1, v4;
	_ =	sdelay $0x3  }
0x2e: {  	s25 =	simm.s32 $0x3200;
	v3 =	vperm.xlane v3, v2  }
0x2f: {  	[tilespmem:s25], [sflag:$0x2] =	stream.indirect_vreg.gather [hbm4b:s18+s1], $0x80, v4, vm0, $0xb8;
	[tilespmem:$0x18200] =	vst v63  }
0x30: {  	s26 =	simm.s32 $0x3A00;
	v3 =	vadd.s32 v1, v3  }
0x31: {  	[tilespmem:s26], [sflag:$0x2] =	stream.indirect_vreg.gather [hbm4b:s20+s1], $0x80, v4, vm0, $0xb8;
	[tilespmem:$0x18200] =	vst v63  }
0x32: {  	s28 =	simm.s32 $0x4200  }
0x33: {  	[tilespmem:s28], [sflag:$0x2] =	stream.indirect_vreg.gather [hbm4b:s21+s1], $0x80, v4, vm0, $0xb8;
	[tilespmem:$0x18200] =	vst v63  }
0x34: {  	s29 =	simm.s32 $0x4A00  }
0x35: {  	[tilespmem:s29], [sflag:$0x2] =	stream.indirect_vreg.gather [hbm4b:s18+s1], $0x80, v3, vm0, $0xb8;
	[tilespmem:$0x18200] =	vst v63  }
0x36: {  	s30 =	simm.s32 $0x5200  }
0x37: {  	[tilespmem:s30], [sflag:$0x2] =	stream.indirect_vreg.gather [hbm4b:s20+s1], $0x80, v3, vm0, $0xb8;
	[tilespmem:$0x18200] =	vst v63  }
0x38: {  	s31 =	simm.s32 $0x5A00;
	p0 =	por $0x0, $0x0;
	s8 =	simm.s32 $0x0  }
0x39: {  	[tilespmem:s31], [sflag:$0x2] =	stream.indirect_vreg.gather [hbm4b:s21+s1], $0x80, v3, vm0, $0xb8;
	[tilespmem:$0x18200] =	vst v63  }
.LBB2_2:
0x3a: {  	p1 =	seq.s32 s8, $0x0  }
0x3b: {  	p2 =	seq.s32 @!p1 s8, $0xF  }
0x3c: {  	s9 =	sand.u32 $0x1, s8;
	p2 =	por p1, !p2  }
.Ltmp0:
0x3d: {  	s0 =	sxor.u32 @!p1 $0x1, s9;
	(pc) =	sbr.rel @!p2 .LBB2_4-.Ltmp0, $4  }
0x3e: {  	s0 =	sor.u32 @!p1 $0x6, s0  }
0x3f: {  	_ =	swait.ge @!p1 [sflag:s0], $0x6000  }
0x40: {  	[sflag:s0] =	ssyncset.done @!p1 $0x0  }
0x41: {  	s11 =	sshrl.u32 s8, $0x2;
	s10 =	sand.u32 $0x3, s8;
	[sflag:s0] =	ssyncadd.s32 @!p1 $0xFFFFA000  }
0x42: {  	s0 =	sadd.s32 $0x1, s8  }
0x43: {  	s1 =	sshll.u32 s0, $0x3;
	s2 =	sshll.u32 s0, $0x7  }
0x44: {  	s3 =	sand.u32 $0x80, s1;
	s2 =	sand.u32 $0x180, s2  }
0x45: {  	s1 =	sand.u32 $0x60, s1;
	s2 =	sadd.s32 s3, s2  }
0x46: {  	s1 =	sor.u32 s1, s2  }
0x47: {  	v3 =	vld [tilespmem:s1+$0x0];
	_ =	sdelay $0x4  }
0x48: {  	v4 =	vshrl.u32 v3, $0x3  }
0x49: {  	v4 =	vmul.u32 $0x30, v4  }
0x4a: {  	v3 =	vand.u32 $0x7, v3  }
0x4b: {  	v3 =	vor.u32 v3, v4  }
0x4c: {  	v4 =	vperm.xlane v3, v0;
	_ =	sdelay $0x1  }
0x4d: {  	s0 =	sand.u32 $0x1, s0;
	v4 =	vadd.s32 v1, v4  }
0x4e: {  	s18 =	smul.u32 $0x18000, s0;
	_ =	sdelay $0x1  }
0x4f: {  	s4 =	rddreg [dreg:$0x1];
	s2 =	sshrl.u32 s18, $0x2  }
0x50: {  	s5 =	simm.s32 $0x0;
	s0 =	sor.u32 $0x2, s0;
	s19 =	sor.u32 $0x200, s2;
	v3 =	vperm.xlane v3, v2  }
0x51: {  	[tilespmem:s19], [sflag:s0] =	stream.indirect_vreg.gather [hbm4b:s4+s5], $0x80, v4, vm0, $0xb8;
	[tilespmem:$0x18200] =	vst v63  }
0x52: {  	s6 =	rddreg [dreg:$0x12];
	s20 =	sor.u32 $0xA00, s2;
	v3 =	vadd.s32 v1, v3  }
0x53: {  	[tilespmem:s20], [sflag:s0] =	stream.indirect_vreg.gather [hbm4b:s6+s5], $0x80, v4, vm0, $0xb8;
	[tilespmem:$0x18200] =	vst v63  }
0x54: {  	s7 =	rddreg [dreg:$0x13];
	s21 =	sor.u32 $0x1200, s2  }
0x55: {  	[tilespmem:s21], [sflag:s0] =	stream.indirect_vreg.gather [hbm4b:s7+s5], $0x80, v4, vm0, $0xb8;
	[tilespmem:$0x18200] =	vst v63  }
0x56: {  	s22 =	sor.u32 $0x1A00, s2  }
0x57: {  	[tilespmem:s22], [sflag:s0] =	stream.indirect_vreg.gather [hbm4b:s4+s5], $0x80, v3, vm0, $0xb8;
	[tilespmem:$0x18200] =	vst v63  }
0x58: {  	s23 =	sadd.s32 $0x2200, s2  }
0x59: {  	[tilespmem:s23], [sflag:s0] =	stream.indirect_vreg.gather [hbm4b:s6+s5], $0x80, v3, vm0, $0xb8;
	[tilespmem:$0x18200] =	vst v63  }
0x5a: {  	s24 =	sadd.s32 $0x2A00, s2  }
0x5b: {  	[tilespmem:s24], [sflag:s0] =	stream.indirect_vreg.gather [hbm4b:s7+s5], $0x80, v3, vm0, $0xb8;
	[tilespmem:$0x18200] =	vst v63  }
0x5c: {  	v3 =	vld [tilespmem:s1+$0x10];
	_ =	sdelay $0x4  }
0x5d: {  	v63 =	vshrl.u32 v3, $0x3  }
0x5e: {  	v4 =	vmul.u32 $0x30, v63  }
0x5f: {  	v3 =	vand.u32 $0x7, v3  }
0x60: {  	v3 =	vor.u32 v3, v4  }
0x61: {  	v4 =	vperm.xlane v3, v0;
	_ =	sdelay $0x1  }
0x62: {  	v4 =	vadd.s32 v1, v4;
	_ =	sdelay $0x3  }
0x63: {  	s25 =	sadd.s32 $0x3200, s2;
	v3 =	vperm.xlane v3, v2  }
0x64: {  	[tilespmem:s25], [sflag:s0] =	stream.indirect_vreg.gather [hbm4b:s4+s5], $0x80, v4, vm0, $0xb8;
	[tilespmem:$0x18200] =	vst v63  }
0x65: {  	s26 =	sadd.s32 $0x3A00, s2;
	v3 =	vadd.s32 v1, v3  }
0x66: {  	[tilespmem:s26], [sflag:s0] =	stream.indirect_vreg.gather [hbm4b:s6+s5], $0x80, v4, vm0, $0xb8;
	[tilespmem:$0x18200] =	vst v63  }
0x67: {  	s28 =	sadd.s32 $0x4200, s2  }
0x68: {  	[tilespmem:s28], [sflag:s0] =	stream.indirect_vreg.gather [hbm4b:s7+s5], $0x80, v4, vm0, $0xb8;
	[tilespmem:$0x18200] =	vst v63  }
0x69: {  	s29 =	sadd.s32 $0x4A00, s2  }
0x6a: {  	[tilespmem:s29], [sflag:s0] =	stream.indirect_vreg.gather [hbm4b:s4+s5], $0x80, v3, vm0, $0xb8;
	[tilespmem:$0x18200] =	vst v63  }
0x6b: {  	s30 =	sadd.s32 $0x5200, s2  }
0x6c: {  	[tilespmem:s30], [sflag:s0] =	stream.indirect_vreg.gather [hbm4b:s6+s5], $0x80, v3, vm0, $0xb8;
	[tilespmem:$0x18200] =	vst v63  }
0x6d: {  	p1 =	sne.s32 s10, $0x3;
	s31 =	sadd.s32 $0x5A00, s2  }
0x6e: {  	[tilespmem:s31], [sflag:s0] =	stream.indirect_vreg.gather [hbm4b:s7+s5], $0x80, v3, vm0, $0xb8;
	[tilespmem:$0x18200] =	vst v63  }
0x6f: {  	s0 =	sadd.s32 @!p1 $0x1, s11  }
0x70: {  	s2 =	rddreg [dreg:$0xf];
	s1 =	sshll.u32 @!p1 s0, $0x5  }
0x71: {  	s0 =	sand.u32 @!p1 $0x1, s0;
	s1 =	sadd.s32 @!p1 s2, s1  }
0x72: {  	s2 =	smul.u32 @!p1 $0x18000, s0;
	s1 =	sshrl.u32 @!p1 s1, $0x3  }
0x73: {  	s1 =	smul.u32 @!p1 $0x300, s1  }
0x74: {  	s3 =	rddreg [dreg:$0x2];
	s0 =	sor.u32 @!p1 $0x4, s0;
	s2 =	sshrl.u32 @!p1 s2, $0x2  }
0x75: {  	s2 =	sadd.s32 @!p1 $0xC200, s2;
	s1 =	sadd.s32 @!p1 s3, s1;
	s3 =	simm.s32 @!p1 $0x0  }
0x76: {  	[tilespmem:s2], [sflag:s0] =	stream.linear.gather @!p1 [hbm4b:s1+s3], $0x6000, $0x38;
	[tilespmem:$0x18200] =	vst v63  }
.LBB2_4:
0x77: {  	[dreg:$0x16] =	wrdreg s8  }
0x78: {  	s0 =	simm.s32 $0x1;
	[dreg:$0x19] =	wrdreg s11;
	s1 =	sand.u32 $0x1, s11  }
0x79: {  	[dreg:$0x17] =	wrdreg s9;
	s0 =	simm.s32 @!p0 $0x0;
	s8 =	sshll.u32 s1, $0x5  }
0x7a: {  	s0 =	sshll.u32 s0, $0x5;
	[dreg:$0x6] =	wrdreg s8  }
0x7b: {  	s9 =	sor.u32 $0x2, s9;
	[dreg:$0x5] =	wrdreg s0  }
0x7c: {  	_ =	swait.ge [sflag:s9], $0x6000  }
0x7d: {  	p1 =	sne.s32 s10, $0x0;
	[sflag:s9] =	ssyncset.done $0x0  }
0x7e: {  	s0 =	sor.u32 @!p1 $0x4, s1;
	[dreg:$0x18] =	wrdreg s10;
	[sflag:s9] =	ssyncadd.s32 $0xFFFFA000  }
0x7f: {  	_ =	swait.ge @!p1 [sflag:s0], $0x6000  }
0x80: {  	s10 =	rddreg [dreg:$0x6]  }
0x81: {  	s1 =	sadd.s32 $0x0, s10  }
0x82: {  	s1 =	sshrl.u32 s1, $0x3  }
0x83: {  	s1 =	smul.u32 $0x6000, s1  }
0x84: {  	s3 =	simm.s32 $0x0  }
0x85: {  	s17 =	sand.u32 $0x300, s3;
	s2 =	rddreg [dreg:$0x5];
	s14 =	sshra.s32 s1, $0x2  }
0x86: {  	[sflag:s0] =	ssyncset.done @!p1 $0x0;
	s11 =	sadd.s32 $0x0, s2;
	s12 =	sadd.s32 $0xC200, s14  }
0x87: {  	[sflag:s0] =	ssyncadd.s32 @!p1 $0xFFFFA000;
	s13 =	sshrl.u32 s11, $0x3;
	s4 =	sadd.s32 s17, s12  }
0x88: {  	s0 =	smul.u32 $0x6000, s13;
	v3 =	vld [tilespmem:s4+$0x0];
	_ =	sdelay $0x1  }
0x89: {  	s1 =	sshra.s32 s0, $0x2  }
0x8a: {  	s6 =	sor.u32 $0x200, s1  }
0x8b: {  	s5 =	sadd.s32 s17, s6  }
0x8c: {  	[tilespmem:s5+$0x0] =	vst.add.f32.msk $0xffff, v3  }
0x8d: {  	v3 =	vld [tilespmem:s4+$0x10];
	_ =	sdelay $0x1  }
0x8e: {  	s3 =	sor.u32 $0x80, s17  }
0x8f: {  	s18 =	sadd.s32 s3, s12  }
0x90: {  	s15 =	sor.u32 $0x10, s5;
	v4 =	vld [tilespmem:s18+$0x0]  }
0x91: {  	[tilespmem:s15+$0x0] =	vst.add.f32.msk $0xffff, v3  }
0x92: {  	v3 =	vld [tilespmem:s4+$0x20];
	_ =	sdelay $0x1  }
0x93: {  	s20 =	sadd.s32 s3, s6  }
0x94: {  	[tilespmem:s20+$0x0] =	vst.add.f32.msk $0xffff, v4  }
0x95: {  	s16 =	sor.u32 $0x20, s5;
	v4 =	vld [tilespmem:s18+$0x10]  }
0x96: {  	[tilespmem:s16+$0x0] =	vst.add.f32.msk $0xffff, v3  }
0x97: {  	v3 =	vld [tilespmem:s4+$0x30];
	_ =	sdelay $0x1  }
0x98: {  	s22 =	sor.u32 $0x10, s20  }
0x99: {  	[tilespmem:s22+$0x0] =	vst.add.f32.msk $0xffff, v4  }
0x9a: {  	s19 =	sor.u32 $0x30, s5;
	v4 =	vld [tilespmem:s18+$0x20]  }
0x9b: {  	[tilespmem:s19+$0x0] =	vst.add.f32.msk $0xffff, v3  }
0x9c: {  	v3 =	vld [tilespmem:s4+$0x40];
	_ =	sdelay $0x1  }
0x9d: {  	s24 =	sor.u32 $0x20, s20  }
0x9e: {  	[tilespmem:s24+$0x0] =	vst.add.f32.msk $0xffff, v4  }
0x9f: {  	s21 =	sor.u32 $0x40, s5;
	v4 =	vld [tilespmem:s18+$0x30]  }
0xa0: {  	[tilespmem:s21+$0x0] =	vst.add.f32.msk $0xffff, v3  }
0xa1: {  	v3 =	vld [tilespmem:s4+$0x50];
	_ =	sdelay $0x1  }
0xa2: {  	s26 =	sor.u32 $0x30, s20  }
0xa3: {  	[tilespmem:s26+$0x0] =	vst.add.f32.msk $0xffff, v4  }
0xa4: {  	s23 =	sor.u32 $0x50, s5;
	v4 =	vld [tilespmem:s18+$0x40]  }
0xa5: {  	[tilespmem:s23+$0x0] =	vst.add.f32.msk $0xffff, v3  }
0xa6: {  	v3 =	vld [tilespmem:s4+$0x60];
	_ =	sdelay $0x1  }
0xa7: {  	s30 =	sor.u32 $0x40, s20  }
0xa8: {  	[tilespmem:s30+$0x0] =	vst.add.f32.msk $0xffff, v4  }
0xa9: {  	s25 =	sor.u32 $0x60, s5;
	v4 =	vld [tilespmem:s18+$0x50]  }
0xaa: {  	[tilespmem:s25+$0x0] =	vst.add.f32.msk $0xffff, v3  }
0xab: {  	v3 =	vld [tilespmem:s4+$0x70];
	_ =	sdelay $0x1  }
0xac: {  	s7 =	sor.u32 $0x50, s20  }
0xad: {  	[tilespmem:s7+$0x0] =	vst.add.f32.msk $0xffff, v4  }
0xae: {  	s29 =	sor.u32 $0x70, s5;
	v4 =	vld [tilespmem:s18+$0x60]  }
0xaf: {  	[tilespmem:s29+$0x0] =	vst.add.f32.msk $0xffff, v3  }
0xb0: {  	v3 =	vld [tilespmem:s4+$0x400];
	_ =	sdelay $0x1  }
0xb1: {  	s8 =	sor.u32 $0x60, s20  }
0xb2: {  	[tilespmem:s8+$0x0] =	vst.add.f32.msk $0xffff, v4  }
0xb3: {  	v4 =	vld [tilespmem:s18+$0x70]  }
0xb4: {  	[tilespmem:s5+$0x400] =	vst.add.f32.msk $0xffff, v3  }
0xb5: {  	v3 =	vld [tilespmem:s4+$0x410];
	_ =	sdelay $0x1  }
0xb6: {  	s9 =	sor.u32 $0x70, s20  }
0xb7: {  	[tilespmem:s9+$0x0] =	vst.add.f32.msk $0xffff, v4  }
0xb8: {  	v4 =	vld [tilespmem:s18+$0x400]  }
0xb9: {  	[tilespmem:s5+$0x410] =	vst.add.f32.msk $0xffff, v3  }
0xba: {  	v3 =	vld [tilespmem:s4+$0x420];
	_ =	sdelay $0x2  }
0xbb: {  	[tilespmem:s20+$0x400] =	vst.add.f32.msk $0xffff, v4  }
0xbc: {  	v4 =	vld [tilespmem:s18+$0x410]  }
0xbd: {  	[tilespmem:s5+$0x420] =	vst.add.f32.msk $0xffff, v3  }
0xbe: {  	v3 =	vld [tilespmem:s4+$0x430];
	_ =	sdelay $0x2  }
0xbf: {  	[tilespmem:s20+$0x410] =	vst.add.f32.msk $0xffff, v4  }
0xc0: {  	v4 =	vld [tilespmem:s18+$0x420]  }
0xc1: {  	[tilespmem:s5+$0x430] =	vst.add.f32.msk $0xffff, v3  }
0xc2: {  	v3 =	vld [tilespmem:s4+$0x440];
	_ =	sdelay $0x2  }
0xc3: {  	[tilespmem:s20+$0x420] =	vst.add.f32.msk $0xffff, v4  }
0xc4: {  	v4 =	vld [tilespmem:s18+$0x430]  }
0xc5: {  	[tilespmem:s5+$0x440] =	vst.add.f32.msk $0xffff, v3  }
0xc6: {  	v3 =	vld [tilespmem:s4+$0x450];
	_ =	sdelay $0x2  }
0xc7: {  	[tilespmem:s20+$0x430] =	vst.add.f32.msk $0xffff, v4  }
0xc8: {  	v4 =	vld [tilespmem:s18+$0x440]  }
0xc9: {  	[tilespmem:s5+$0x450] =	vst.add.f32.msk $0xffff, v3  }
0xca: {  	v3 =	vld [tilespmem:s4+$0x460];
	_ =	sdelay $0x2  }
0xcb: {  	[tilespmem:s20+$0x440] =	vst.add.f32.msk $0xffff, v4  }
0xcc: {  	v4 =	vld [tilespmem:s18+$0x450]  }
0xcd: {  	[tilespmem:s5+$0x460] =	vst.add.f32.msk $0xffff, v3  }
0xce: {  	v3 =	vld [tilespmem:s4+$0x470];
	_ =	sdelay $0x2  }
0xcf: {  	[tilespmem:s20+$0x450] =	vst.add.f32.msk $0xffff, v4  }
0xd0: {  	s10 =	sadd.s32 $0xCA00, s14;
	v4 =	vld [tilespmem:s18+$0x460]  }
0xd1: {  	s11 =	sadd.s32 s17, s10;
	[tilespmem:s5+$0x470] =	vst.add.f32.msk $0xffff, v3  }
0xd2: {  	v3 =	vld [tilespmem:s11+$0x0];
	_ =	sdelay $0x2  }
0xd3: {  	s12 =	sadd.s32 $0xA00, s1;
	[tilespmem:s20+$0x460] =	vst.add.f32.msk $0xffff, v4  }
0xd4: {  	s13 =	sadd.s32 s17, s12;
	v4 =	vld [tilespmem:s18+$0x470]  }
0xd5: {  	[tilespmem:s13+$0x0] =	vst.add.f32.msk $0xffff, v3  }
0xd6: {  	v3 =	vld [tilespmem:s11+$0x10];
	_ =	sdelay $0x2  }
0xd7: {  	s18 =	sadd.s32 s3, s10;
	[tilespmem:s20+$0x470] =	vst.add.f32.msk $0xffff, v4  }
0xd8: {  	s15 =	sor.u32 $0x10, s13;
	v4 =	vld [tilespmem:s18+$0x0]  }
0xd9: {  	[tilespmem:s15+$0x0] =	vst.add.f32.msk $0xffff, v3  }
0xda: {  	v3 =	vld [tilespmem:s11+$0x20];
	_ =	sdelay $0x1  }
0xdb: {  	s6 =	sadd.s32 s3, s12  }
0xdc: {  	[tilespmem:s6+$0x0] =	vst.add.f32.msk $0xffff, v4  }
0xdd: {  	s16 =	sor.u32 $0x20, s13;
	v4 =	vld [tilespmem:s18+$0x10]  }
0xde: {  	[tilespmem:s16+$0x0] =	vst.add.f32.msk $0xffff, v3  }
0xdf: {  	v3 =	vld [tilespmem:s11+$0x30];
	_ =	sdelay $0x1  }
0xe0: {  	s21 =	sor.u32 $0x10, s6  }
0xe1: {  	[tilespmem:s21+$0x0] =	vst.add.f32.msk $0xffff, v4  }
0xe2: {  	s19 =	sor.u32 $0x30, s13;
	v4 =	vld [tilespmem:s18+$0x20]  }
0xe3: {  	[tilespmem:s19+$0x0] =	vst.add.f32.msk $0xffff, v3  }
0xe4: {  	v3 =	vld [tilespmem:s11+$0x40];
	_ =	sdelay $0x1  }
0xe5: {  	s23 =	sor.u32 $0x20, s6  }
0xe6: {  	[tilespmem:s23+$0x0] =	vst.add.f32.msk $0xffff, v4  }
0xe7: {  	s20 =	sor.u32 $0x40, s13;
	v4 =	vld [tilespmem:s18+$0x30]  }
0xe8: {  	[tilespmem:s20+$0x0] =	vst.add.f32.msk $0xffff, v3  }
0xe9: {  	v3 =	vld [tilespmem:s11+$0x50];
	_ =	sdelay $0x1  }
0xea: {  	s25 =	sor.u32 $0x30, s6  }
0xeb: {  	[tilespmem:s25+$0x0] =	vst.add.f32.msk $0xffff, v4  }
0xec: {  	s22 =	sor.u32 $0x50, s13;
	v4 =	vld [tilespmem:s18+$0x40]  }
0xed: {  	[tilespmem:s22+$0x0] =	vst.add.f32.msk $0xffff, v3  }
0xee: {  	v3 =	vld [tilespmem:s11+$0x60];
	_ =	sdelay $0x1  }
0xef: {  	s30 =	sor.u32 $0x40, s6  }
0xf0: {  	[tilespmem:s30+$0x0] =	vst.add.f32.msk $0xffff, v4  }
0xf1: {  	s24 =	sor.u32 $0x60, s13;
	v4 =	vld [tilespmem:s18+$0x50]  }
0xf2: {  	[tilespmem:s24+$0x0] =	vst.add.f32.msk $0xffff, v3  }
0xf3: {  	v3 =	vld [tilespmem:s11+$0x70];
	_ =	sdelay $0x1  }
0xf4: {  	s11 =	sor.u32 $0x50, s6  }
0xf5: {  	[tilespmem:s11+$0x0] =	vst.add.f32.msk $0xffff, v4  }
0xf6: {  	s26 =	sadd.s32 $0xCE00, s14;
	s29 =	sor.u32 $0x70, s13;
	v4 =	vld [tilespmem:s18+$0x60]  }
0xf7: {  	s0 =	sadd.s32 s17, s26;
	[tilespmem:s29+$0x0] =	vst.add.f32.msk $0xffff, v3  }
0xf8: {  	v3 =	vld [tilespmem:s0+$0x0];
	_ =	sdelay $0x1  }
0xf9: {  	s13 =	sor.u32 $0x60, s6  }
0xfa: {  	s7 =	sadd.s32 $0xE00, s1;
	[tilespmem:s13+$0x0] =	vst.add.f32.msk $0xffff, v4  }
0xfb: {  	s10 =	sadd.s32 s17, s7;
	v4 =	vld [tilespmem:s18+$0x70]  }
0xfc: {  	[tilespmem:s10+$0x0] =	vst.add.f32.msk $0xffff, v3  }
0xfd: {  	v3 =	vld [tilespmem:s0+$0x10];
	_ =	sdelay $0x2  }
0xfe: {  	s16 =	sor.u32 $0x70, s6  }
0xff: {  	s12 =	sor.u32 $0x10, s10;
	[tilespmem:s16+$0x0] =	vst.add.f32.msk $0xffff, v4  }
0x100: {  	[tilespmem:s12+$0x0] =	vst.add.f32.msk $0xffff, v3;
	s12 =	sadd.s32 s3, s26  }
0x101: {  	v4 =	vld [tilespmem:s12+$0x0];
	_ =	sdelay $0x1  }
0x102: {  	s19 =	rddreg [dreg:$0x6];
	v3 =	vld [tilespmem:s0+$0x20]  }
0x103: {  	s2 =	sadd.s32 $0x2, s19  }
0x104: {  	s2 =	sshrl.u32 s2, $0x3;
	s11 =	sadd.s32 s3, s7  }
0x105: {  	s2 =	smul.u32 $0x6000, s2;
	[tilespmem:s11+$0x0] =	vst.add.f32.msk $0xffff, v4  }
0x106: {  	s15 =	sor.u32 $0x20, s10;
	v4 =	vld [tilespmem:s12+$0x10]  }
0x107: {  	s21 =	rddreg [dreg:$0x5];
	s25 =	sshra.s32 s2, $0x2;
	[tilespmem:s15+$0x0] =	vst.add.f32.msk $0xffff, v3;
	s15 =	simm.s32 $0x100  }
0x108: {  	s23 =	sadd.s32 $0x2, s21;
	s24 =	sadd.s32 $0xC200, s25;
	v3 =	vld [tilespmem:s0+$0x30];
	s7 =	sand.u32 $0x300, s15  }
0x109: {  	s2 =	sshrl.u32 s23, $0x3;
	s6 =	sadd.s32 s7, s24  }
0x10a: {  	s2 =	smul.u32 $0x6000, s2;
	s22 =	sor.u32 $0x10, s11;
	v5 =	vld [tilespmem:s6+$0x0]  }
0x10b: {  	[tilespmem:s22+$0x0] =	vst.add.f32.msk $0xffff, v4  }
0x10c: {  	s2 =	sshra.s32 s2, $0x2;
	s18 =	sor.u32 $0x30, s10;
	v4 =	vld [tilespmem:s12+$0x20]  }
0x10d: {  	s30 =	sor.u32 $0x200, s2;
	[tilespmem:s18+$0x0] =	vst.add.f32.msk $0xffff, v3  }
0x10e: {  	s9 =	sadd.s32 s7, s30;
	v3 =	vld [tilespmem:s0+$0x40]  }
0x10f: {  	[tilespmem:s9+$0x0] =	vst.add.f32.msk $0xffff, v5  }
0x110: {  	s29 =	sor.u32 $0x20, s11;
	v5 =	vld [tilespmem:s6+$0x10]  }
0x111: {  	[tilespmem:s29+$0x0] =	vst.add.f32.msk $0xffff, v4  }
0x112: {  	s20 =	sor.u32 $0x40, s10;
	v4 =	vld [tilespmem:s12+$0x30]  }
0x113: {  	[tilespmem:s20+$0x0] =	vst.add.f32.msk $0xffff, v3  }
0x114: {  	s18 =	sor.u32 $0x10, s9;
	v3 =	vld [tilespmem:s0+$0x50]  }
0x115: {  	[tilespmem:s18+$0x0] =	vst.add.f32.msk $0xffff, v5  }
0x116: {  	s16 =	sor.u32 $0x30, s11;
	s28 =	sor.u32 $0x80, s7;
	v5 =	vld [tilespmem:s6+$0x20]  }
0x117: {  	s8 =	sadd.s32 s28, s24;
	[tilespmem:s16+$0x0] =	vst.add.f32.msk $0xffff, v4  }
0x118: {  	s26 =	sor.u32 $0x50, s10;
	v4 =	vld [tilespmem:s8+$0x0]  }
0x119: {  	[tilespmem:s26+$0x0] =	vst.add.f32.msk $0xffff, v3  }
0x11a: {  	s19 =	sor.u32 $0x20, s9;
	v3 =	vld [tilespmem:s0+$0x60]  }
0x11b: {  	[tilespmem:s19+$0x0] =	vst.add.f32.msk $0xffff, v5  }
0x11c: {  	s4 =	sor.u32 $0x70, s10;
	s13 =	sor.u32 $0x60, s10;
	s10 =	sadd.s32 s28, s30;
	v5 =	vld [tilespmem:s6+$0x30]  }
0x11d: {  	[tilespmem:s10+$0x0] =	vst.add.f32.msk $0xffff, v4  }
0x11e: {  	v4 =	vld [tilespmem:s8+$0x10]  }
0x11f: {  	[tilespmem:s13+$0x0] =	vst.add.f32.msk $0xffff, v3  }
0x120: {  	s20 =	sor.u32 $0x30, s9;
	v3 =	vld [tilespmem:s0+$0x70]  }
0x121: {  	[tilespmem:s20+$0x0] =	vst.add.f32.msk $0xffff, v5  }
0x122: {  	s16 =	sor.u32 $0x10, s10;
	v5 =	vld [tilespmem:s6+$0x40]  }
0x123: {  	[tilespmem:s16+$0x0] =	vst.add.f32.msk $0xffff, v4  }
0x124: {  	s0 =	sadd.s32 $0xD200, s14;
	v4 =	vld [tilespmem:s8+$0x20]  }
0x125: {  	s5 =	sadd.s32 s17, s0;
	[tilespmem:s4+$0x0] =	vst.add.f32.msk $0xffff, v3  }
0x126: {  	s23 =	sor.u32 $0x40, s9;
	v3 =	vld [tilespmem:s5+$0x0]  }
0x127: {  	[tilespmem:s23+$0x0] =	vst.add.f32.msk $0xffff, v5  }
0x128: {  	s22 =	sor.u32 $0x20, s10;
	v5 =	vld [tilespmem:s6+$0x50]  }
0x129: {  	s13 =	sadd.s32 $0x1200, s1;
	[tilespmem:s22+$0x0] =	vst.add.f32.msk $0xffff, v4  }
0x12a: {  	s4 =	sadd.s32 s17, s13;
	v4 =	vld [tilespmem:s8+$0x30]  }
0x12b: {  	[tilespmem:s4+$0x0] =	vst.add.f32.msk $0xffff, v3  }
0x12c: {  	v3 =	vld [tilespmem:s5+$0x10]  }
0x12d: {  	s29 =	sor.u32 $0x50, s9  }
0x12e: {  	s26 =	sor.u32 $0x30, s10;
	[tilespmem:s29+$0x0] =	vst.add.f32.msk $0xffff, v5  }
0x12f: {  	[tilespmem:s26+$0x0] =	vst.add.f32.msk $0xffff, v4  }
0x130: {  	s21 =	sor.u32 $0x10, s4;
	v4 =	vld [tilespmem:s6+$0x60]  }
0x131: {  	[tilespmem:s21+$0x0] =	vst.add.f32.msk $0xffff, v3  }
0x132: {  	v3 =	vld [tilespmem:s5+$0x20];
	_ =	sdelay $0x1  }
0x133: {  	v6 =	vld [tilespmem:s12+$0x40];
	s19 =	sor.u32 $0x60, s9  }
0x134: {  	[tilespmem:s19+$0x0] =	vst.add.f32.msk $0xffff, v4  }
0x135: {  	s24 =	sor.u32 $0x20, s4;
	v4 =	vld [tilespmem:s6+$0x70]  }
0x136: {  	[tilespmem:s24+$0x0] =	vst.add.f32.msk $0xffff, v3  }
0x137: {  	v3 =	vld [tilespmem:s8+$0x40]  }
0x138: {  	s30 =	sor.u32 $0x40, s11  }
0x139: {  	[tilespmem:s30+$0x0] =	vst.add.f32.msk $0xffff, v6  }
0x13a: {  	s22 =	sor.u32 $0x70, s9;
	v5 =	vld [tilespmem:s5+$0x30]  }
0x13b: {  	s18 =	sor.u32 $0x40, s10;
	[tilespmem:s22+$0x0] =	vst.add.f32.msk $0xffff, v4  }
0x13c: {  	[tilespmem:s18+$0x0] =	vst.add.f32.msk $0xffff, v3  }
0x13d: {  	v4 =	vld [tilespmem:s6+$0x400]  }
0x13e: {  	s20 =	sor.u32 $0x30, s4;
	v3 =	vld [tilespmem:s8+$0x50]  }
0x13f: {  	[tilespmem:s20+$0x0] =	vst.add.f32.msk $0xffff, v5  }
0x140: {  	v5 =	vld [tilespmem:s12+$0x50];
	_ =	sdelay $0x2  }
0x141: {  	s21 =	sor.u32 $0x50, s10;
	[tilespmem:s9+$0x400] =	vst.add.f32.msk $0xffff, v4  }
0x142: {  	s23 =	sor.u32 $0x50, s11;
	[tilespmem:s21+$0x0] =	vst.add.f32.msk $0xffff, v3  }
0x143: {  	[tilespmem:s23+$0x0] =	vst.add.f32.msk $0xffff, v5  }
0x144: {  	v5 =	vld [tilespmem:s5+$0x40]  }
0x145: {  	v4 =	vld [tilespmem:s6+$0x410]  }
0x146: {  	v3 =	vld [tilespmem:s8+$0x60];
	_ =	sdelay $0x1  }
0x147: {  	s26 =	sor.u32 $0x40, s4;
	v6 =	vld [tilespmem:s12+$0x60]  }
0x148: {  	[tilespmem:s26+$0x0] =	vst.add.f32.msk $0xffff, v5  }
0x149: {  	s24 =	sor.u32 $0x60, s10;
	[tilespmem:s9+$0x410] =	vst.add.f32.msk $0xffff, v4  }
0x14a: {  	[tilespmem:s24+$0x0] =	vst.add.f32.msk $0xffff, v3  }
0x14b: {  	s30 =	sor.u32 $0x60, s11;
	v3 =	vld [tilespmem:s8+$0x70]  }
0x14c: {  	[tilespmem:s30+$0x0] =	vst.add.f32.msk $0xffff, v6  }
0x14d: {  	v4 =	vld [tilespmem:s6+$0x420]  }
0x14e: {  	v5 =	vld [tilespmem:s5+$0x50]  }
0x14f: {  	s29 =	sor.u32 $0x70, s10;
	v6 =	vld [tilespmem:s12+$0x70]  }
0x150: {  	[tilespmem:s29+$0x0] =	vst.add.f32.msk $0xffff, v3  }
0x151: {  	v3 =	vld [tilespmem:s8+$0x400]  }
0x152: {  	s26 =	sor.u32 $0x50, s4;
	[tilespmem:s9+$0x420] =	vst.add.f32.msk $0xffff, v4  }
0x153: {  	[tilespmem:s26+$0x0] =	vst.add.f32.msk $0xffff, v5  }
0x154: {  	s11 =	sor.u32 $0x70, s11;
	v4 =	vld [tilespmem:s6+$0x430]  }
0x155: {  	[tilespmem:s11+$0x0] =	vst.add.f32.msk $0xffff, v6  }
0x156: {  	[tilespmem:s10+$0x400] =	vst.add.f32.msk $0xffff, v3  }
0x157: {  	v3 =	vld [tilespmem:s8+$0x410]  }
0x158: {  	s0 =	sadd.s32 s3, s0;
	v5 =	vld [tilespmem:s5+$0x60]  }
0x159: {  	v6 =	vld [tilespmem:s0+$0x0]  }
0x15a: {  	[tilespmem:s9+$0x430] =	vst.add.f32.msk $0xffff, v4  }
0x15b: {  	v4 =	vld [tilespmem:s6+$0x440]  }
0x15c: {  	[tilespmem:s10+$0x410] =	vst.add.f32.msk $0xffff, v3  }
0x15d: {  	s13 =	sadd.s32 s3, s13;
	v3 =	vld [tilespmem:s8+$0x420]  }
0x15e: {  	[tilespmem:s13+$0x0] =	vst.add.f32.msk $0xffff, v6  }
0x15f: {  	v6 =	vld [tilespmem:s0+$0x10]  }
0x160: {  	[tilespmem:s9+$0x440] =	vst.add.f32.msk $0xffff, v4  }
0x161: {  	v4 =	vld [tilespmem:s6+$0x450]  }
0x162: {  	[tilespmem:s10+$0x420] =	vst.add.f32.msk $0xffff, v3  }
0x163: {  	s18 =	sor.u32 $0x10, s13;
	v3 =	vld [tilespmem:s8+$0x430]  }
0x164: {  	[tilespmem:s18+$0x0] =	vst.add.f32.msk $0xffff, v6  }
0x165: {  	v6 =	vld [tilespmem:s0+$0x20]  }
0x166: {  	[tilespmem:s9+$0x450] =	vst.add.f32.msk $0xffff, v4  }
0x167: {  	v4 =	vld [tilespmem:s6+$0x460]  }
0x168: {  	[tilespmem:s10+$0x430] =	vst.add.f32.msk $0xffff, v3  }
0x169: {  	s19 =	sor.u32 $0x20, s13;
	v3 =	vld [tilespmem:s8+$0x440]  }
0x16a: {  	[tilespmem:s19+$0x0] =	vst.add.f32.msk $0xffff, v6  }
0x16b: {  	s19 =	sor.u32 $0x60, s4;
	v6 =	vld [tilespmem:s0+$0x30]  }
0x16c: {  	[tilespmem:s19+$0x0] =	vst.add.f32.msk $0xffff, v5  }
0x16d: {  	v5 =	vld [tilespmem:s5+$0x70]  }
0x16e: {  	[tilespmem:s10+$0x440] =	vst.add.f32.msk $0xffff, v3  }
0x16f: {  	v3 =	vld [tilespmem:s8+$0x450]  }
0x170: {  	[tilespmem:s9+$0x460] =	vst.add.f32.msk $0xffff, v4  }
0x171: {  	s20 =	sor.u32 $0x30, s13;
	v4 =	vld [tilespmem:s6+$0x470]  }
0x172: {  	[tilespmem:s20+$0x0] =	vst.add.f32.msk $0xffff, v6  }
0x173: {  	v6 =	vld [tilespmem:s0+$0x40]  }
0x174: {  	[tilespmem:s10+$0x450] =	vst.add.f32.msk $0xffff, v3  }
0x175: {  	s21 =	sadd.s32 $0xCA00, s25;
	v3 =	vld [tilespmem:s8+$0x460]  }
0x176: {  	s11 =	sadd.s32 s7, s21;
	[tilespmem:s9+$0x470] =	vst.add.f32.msk $0xffff, v4  }
0x177: {  	s22 =	sor.u32 $0x40, s13;
	v4 =	vld [tilespmem:s11+$0x0]  }
0x178: {  	[tilespmem:s22+$0x0] =	vst.add.f32.msk $0xffff, v6  }
0x179: {  	v6 =	vld [tilespmem:s0+$0x50]  }
0x17a: {  	s23 =	sadd.s32 $0xA00, s2;
	[tilespmem:s10+$0x460] =	vst.add.f32.msk $0xffff, v3  }
0x17b: {  	s9 =	sadd.s32 s7, s23;
	v3 =	vld [tilespmem:s8+$0x470]  }
0x17c: {  	[tilespmem:s9+$0x0] =	vst.add.f32.msk $0xffff, v4  }
0x17d: {  	s24 =	sor.u32 $0x50, s13;
	v4 =	vld [tilespmem:s11+$0x10]  }
0x17e: {  	[tilespmem:s24+$0x0] =	vst.add.f32.msk $0xffff, v6  }
0x17f: {  	v6 =	vld [tilespmem:s0+$0x60]  }
0x180: {  	s12 =	sadd.s32 s28, s21;
	[tilespmem:s10+$0x470] =	vst.add.f32.msk $0xffff, v3  }
0x181: {  	s29 =	sor.u32 $0x10, s9;
	v3 =	vld [tilespmem:s12+$0x0]  }
0x182: {  	[tilespmem:s29+$0x0] =	vst.add.f32.msk $0xffff, v4  }
0x183: {  	s30 =	sor.u32 $0x60, s13;
	v4 =	vld [tilespmem:s11+$0x20]  }
0x184: {  	[tilespmem:s30+$0x0] =	vst.add.f32.msk $0xffff, v6  }
0x185: {  	v6 =	vld [tilespmem:s0+$0x70];
	s10 =	sadd.s32 s28, s23  }
0x186: {  	[tilespmem:s10+$0x0] =	vst.add.f32.msk $0xffff, v3  }
0x187: {  	s8 =	sor.u32 $0x20, s9;
	v3 =	vld [tilespmem:s12+$0x10]  }
0x188: {  	[tilespmem:s8+$0x0] =	vst.add.f32.msk $0xffff, v4  }
0x189: {  	s13 =	sor.u32 $0x70, s13;
	s6 =	sadd.s32 $0xD600, s14;
	v4 =	vld [tilespmem:s11+$0x30]  }
0x18a: {  	s8 =	sadd.s32 s3, s6;
	[tilespmem:s13+$0x0] =	vst.add.f32.msk $0xffff, v6  }
0x18b: {  	s14 =	sor.u32 $0x10, s10;
	v6 =	vld [tilespmem:s8+$0x0]  }
0x18c: {  	[tilespmem:s14+$0x0] =	vst.add.f32.msk $0xffff, v3  }
0x18d: {  	s16 =	sor.u32 $0x30, s9;
	v3 =	vld [tilespmem:s12+$0x20]  }
0x18e: {  	s13 =	sadd.s32 $0x1600, s1;
	[tilespmem:s16+$0x0] =	vst.add.f32.msk $0xffff, v4  }
0x18f: {  	s0 =	sadd.s32 s3, s13;
	v4 =	vld [tilespmem:s11+$0x40]  }
0x190: {  	[tilespmem:s0+$0x0] =	vst.add.f32.msk $0xffff, v6  }
0x191: {  	s18 =	sor.u32 $0x20, s10;
	v6 =	vld [tilespmem:s8+$0x10]  }
0x192: {  	[tilespmem:s18+$0x0] =	vst.add.f32.msk $0xffff, v3  }
0x193: {  	s20 =	sor.u32 $0x40, s9;
	v3 =	vld [tilespmem:s12+$0x30]  }
0x194: {  	[tilespmem:s20+$0x0] =	vst.add.f32.msk $0xffff, v4  }
0x195: {  	s21 =	sor.u32 $0x10, s0;
	v4 =	vld [tilespmem:s11+$0x50]  }
0x196: {  	[tilespmem:s21+$0x0] =	vst.add.f32.msk $0xffff, v6  }
0x197: {  	s22 =	sor.u32 $0x30, s10;
	v6 =	vld [tilespmem:s8+$0x20]  }
0x198: {  	[tilespmem:s22+$0x0] =	vst.add.f32.msk $0xffff, v3  }
0x199: {  	s23 =	sor.u32 $0x50, s9;
	v3 =	vld [tilespmem:s12+$0x40]  }
0x19a: {  	[tilespmem:s23+$0x0] =	vst.add.f32.msk $0xffff, v4  }
0x19b: {  	s26 =	sor.u32 $0x20, s0;
	v4 =	vld [tilespmem:s11+$0x60]  }
0x19c: {  	[tilespmem:s26+$0x0] =	vst.add.f32.msk $0xffff, v6  }
0x19d: {  	s24 =	sor.u32 $0x40, s10;
	v6 =	vld [tilespmem:s8+$0x30]  }
0x19e: {  	[tilespmem:s24+$0x0] =	vst.add.f32.msk $0xffff, v3  }
0x19f: {  	s29 =	sor.u32 $0x60, s9;
	v3 =	vld [tilespmem:s12+$0x50]  }
0x1a0: {  	[tilespmem:s29+$0x0] =	vst.add.f32.msk $0xffff, v4  }
0x1a1: {  	s3 =	sor.u32 $0x30, s0;
	v4 =	vld [tilespmem:s11+$0x70]  }
0x1a2: {  	[tilespmem:s3+$0x0] =	vst.add.f32.msk $0xffff, v6  }
0x1a3: {  	s30 =	sor.u32 $0x50, s10;
	v6 =	vld [tilespmem:s8+$0x40]  }
0x1a4: {  	[tilespmem:s30+$0x0] =	vst.add.f32.msk $0xffff, v3  }
0x1a5: {  	s5 =	sadd.s32 $0xCE00, s25;
	s11 =	sor.u32 $0x70, s9;
	v3 =	vld [tilespmem:s12+$0x60]  }
0x1a6: {  	s9 =	sadd.s32 s7, s5;
	[tilespmem:s11+$0x0] =	vst.add.f32.msk $0xffff, v4  }
0x1a7: {  	s16 =	sor.u32 $0x40, s0;
	v4 =	vld [tilespmem:s9+$0x0]  }
0x1a8: {  	[tilespmem:s16+$0x0] =	vst.add.f32.msk $0xffff, v6  }
0x1a9: {  	s14 =	sor.u32 $0x60, s10;
	v6 =	vld [tilespmem:s8+$0x50]  }
0x1aa: {  	s18 =	sadd.s32 $0xE00, s2;
	[tilespmem:s14+$0x0] =	vst.add.f32.msk $0xffff, v3  }
0x1ab: {  	s21 =	sadd.s32 s7, s18;
	v3 =	vld [tilespmem:s12+$0x70]  }
0x1ac: {  	[tilespmem:s21+$0x0] =	vst.add.f32.msk $0xffff, v4  }
0x1ad: {  	s20 =	sor.u32 $0x50, s0;
	v4 =	vld [tilespmem:s9+$0x10]  }
0x1ae: {  	[tilespmem:s20+$0x0] =	vst.add.f32.msk $0xffff, v6  }
0x1af: {  	s19 =	sor.u32 $0x70, s10;
	v6 =	vld [tilespmem:s8+$0x60]  }
0x1b0: {  	s3 =	sadd.s32 s28, s5;
	[tilespmem:s19+$0x0] =	vst.add.f32.msk $0xffff, v3  }
0x1b1: {  	s22 =	sor.u32 $0x10, s21;
	v3 =	vld [tilespmem:s3+$0x0]  }
0x1b2: {  	[tilespmem:s22+$0x0] =	vst.add.f32.msk $0xffff, v4  }
0x1b3: {  	s23 =	sor.u32 $0x60, s0;
	v4 =	vld [tilespmem:s9+$0x20]  }
0x1b4: {  	[tilespmem:s23+$0x0] =	vst.add.f32.msk $0xffff, v6  }
0x1b5: {  	s1 =	sadd.s32 s28, s18;
	v6 =	vld [tilespmem:s8+$0x70]  }
0x1b6: {  	[tilespmem:s1+$0x0] =	vst.add.f32.msk $0xffff, v3  }
0x1b7: {  	v3 =	vld [tilespmem:s3+$0x10]  }
0x1b8: {  	s4 =	sor.u32 $0x70, s4  }
0x1b9: {  	[tilespmem:s4+$0x0] =	vst.add.f32.msk $0xffff, v5;
	s24 =	sor.u32 $0x20, s21  }
0x1ba: {  	s0 =	sor.u32 $0x70, s0;
	[tilespmem:s24+$0x0] =	vst.add.f32.msk $0xffff, v4  }
0x1bb: {  	s26 =	sor.u32 $0x10, s1;
	[tilespmem:s0+$0x0] =	vst.add.f32.msk $0xffff, v6  }
0x1bc: {  	s30 =	sadd.s32 $0x1600, s2;
	[tilespmem:s26+$0x0] =	vst.add.f32.msk $0xffff, v3  }
0x1bd: {  	s29 =	sadd.s32 $0x1200, s2;
	s2 =	sadd.s32 s7, s30;
	v3 =	vld [tilespmem:s9+$0x30]  }
0x1be: {  	s31 =	sadd.s32 s17, s6;
	s5 =	sor.u32 $0x30, s21;
	[dreg:$0x7] =	wrdreg s2  }
0x1bf: {  	s16 =	sadd.s32 s17, s13;
	s20 =	sadd.s32 s28, s29;
	s18 =	sadd.s32 s28, s30;
	v4 =	vld [tilespmem:s3+$0x20]  }
0x1c0: {  	s22 =	sadd.s32 $0xD200, s25;
	s23 =	simm.s32 $0x4;
	s19 =	sadd.s32 s7, s29  }
.LBB2_5:
0x1c1: {  	v5 =	vld [tilespmem:s31+$0x0]  }
0x1c2: {  	[tilespmem:s5+$0x0] =	vst.add.f32.msk $0xffff, v3  }
0x1c3: {  	s0 =	rddreg [dreg:$0x6];
	s2 =	smov.u32 s23;
	s4 =	sor.u32 $0x20, s1;
	v3 =	vld [tilespmem:s9+$0x40]  }
0x1c4: {  	s0 =	sadd.s32 s2, s0;
	[tilespmem:s4+$0x0] =	vst.add.f32.msk $0xffff, v4  }
0x1c5: {  	s0 =	sshrl.u32 s0, $0x3;
	v4 =	vld [tilespmem:s3+$0x30]  }
0x1c6: {  	s0 =	smul.u32 $0x6000, s0;
	[tilespmem:s16+$0x0] =	vst.add.f32.msk $0xffff, v5  }
0x1c7: {  	s6 =	sor.u32 $0x40, s21;
	v5 =	vld [tilespmem:s31+$0x10]  }
0x1c8: {  	s30 =	rddreg [dreg:$0x5];
	s15 =	sadd.s32 $0x100, s15;
	s4 =	sshra.s32 s0, $0x2;
	[tilespmem:s6+$0x0] =	vst.add.f32.msk $0xffff, v3  }
0x1c9: {  	s24 =	sand.u32 $0x300, s15;
	s8 =	sadd.s32 $0xC200, s4;
	s6 =	sor.u32 $0x30, s1;
	v6 =	vld [tilespmem:s9+$0x50]  }
0x1ca: {  	s2 =	sadd.s32 s2, s30;
	s29 =	sadd.s32 s24, s8;
	[tilespmem:s6+$0x0] =	vst.add.f32.msk $0xffff, v4  }
0x1cb: {  	s2 =	sshrl.u32 s2, $0x3;
	s5 =	sor.u32 $0x80, s24;
	v4 =	vld [tilespmem:s29+$0x0]  }
0x1cc: {  	s11 =	smul.u32 $0x6000, s2;
	s2 =	sadd.s32 s5, s8;
	v3 =	vld [tilespmem:s3+$0x40]  }
0x1cd: {  	s13 =	sor.u32 $0x50, s21;
	v7 =	vld [tilespmem:s2+$0x0]  }
0x1ce: {  	[tilespmem:s13+$0x0] =	vst.add.f32.msk $0xffff, v6  }
0x1cf: {  	[dreg:$0xe] =	wrdreg s25;
	s25 =	sor.u32 $0x10, s16;
	s0 =	sshra.s32 s11, $0x2;
	v6 =	vld [tilespmem:s9+$0x60]  }
0x1d0: {  	s30 =	sor.u32 $0x200, s0;
	[tilespmem:s25+$0x0] =	vst.add.f32.msk $0xffff, v5  }
0x1d1: {  	s17 =	sadd.s32 $0x1200, s0;
	s13 =	sadd.s32 s24, s30;
	s30 =	sadd.s32 s5, s30;
	v5 =	vld [tilespmem:s31+$0x20]  }
0x1d2: {  	s11 =	smov.u32 s28;
	s14 =	sadd.s32 $0xE00, s0;
	s25 =	sadd.s32 s24, s17;
	[tilespmem:s30+$0x0] =	vst.add.f32.msk $0xffff, v7  }
0x1d3: {  	s28 =	sadd.s32 s24, s14;
	[dreg:$0xd] =	wrdreg s25;
	[tilespmem:s13+$0x0] =	vst.add.f32.msk $0xffff, v4;
	s25 =	sor.u32 $0x60, s21  }
0x1d4: {  	[dreg:$0x9] =	wrdreg s14;
	s14 =	sor.u32 $0x30, s28;
	[tilespmem:s25+$0x0] =	vst.add.f32.msk $0xffff, v6  }
0x1d5: {  	[dreg:$0xc] =	wrdreg s14;
	s14 =	sor.u32 $0x20, s16;
	v4 =	vld [tilespmem:s9+$0x70]  }
0x1d6: {  	[tilespmem:s14+$0x0] =	vst.add.f32.msk $0xffff, v5  }
0x1d7: {  	v5 =	vld [tilespmem:s31+$0x30]  }
0x1d8: {  	v6 =	vld [tilespmem:s2+$0x10]  }
0x1d9: {  	s12 =	sadd.s32 $0xCE00, s4;
	s25 =	sor.u32 $0x70, s21;
	v7 =	vld [tilespmem:s29+$0x10]  }
0x1da: {  	[dreg:$0xa] =	wrdreg s12;
	s6 =	sadd.s32 s5, s17;
	s9 =	sadd.s32 s7, s22;
	[tilespmem:s25+$0x0] =	vst.add.f32.msk $0xffff, v4  }
0x1db: {  	s17 =	sadd.s32 $0x1600, s0;
	s21 =	smov.u32 s28;
	s28 =	sor.u32 $0x30, s16;
	v4 =	vld [tilespmem:s9+$0x0]  }
0x1dc: {  	s12 =	sadd.s32 $0xA00, s0;
	s0 =	sadd.s32 s24, s17;
	s17 =	sadd.s32 s5, s17;
	[tilespmem:s28+$0x0] =	vst.add.f32.msk $0xffff, v5  }
0x1dd: {  	[dreg:$0x8] =	wrdreg s17;
	s17 =	sor.u32 $0x10, s13;
	v5 =	vld [tilespmem:s31+$0x40]  }
0x1de: {  	[tilespmem:s17+$0x0] =	vst.add.f32.msk $0xffff, v7  }
0x1df: {  	s14 =	sor.u32 $0x10, s30;
	v7 =	vld [tilespmem:s29+$0x20]  }
0x1e0: {  	[tilespmem:s14+$0x0] =	vst.add.f32.msk $0xffff, v6  }
0x1e1: {  	[dreg:$0xb] =	wrdreg s7;
	s7 =	sor.u32 $0x40, s16;
	[tilespmem:s19+$0x0] =	vst.add.f32.msk $0xffff, v4  }
0x1e2: {  	[tilespmem:s7+$0x0] =	vst.add.f32.msk $0xffff, v5  }
0x1e3: {  	s28 =	sor.u32 $0x20, s13;
	v4 =	vld [tilespmem:s31+$0x50]  }
0x1e4: {  	[tilespmem:s28+$0x0] =	vst.add.f32.msk $0xffff, v7  }
0x1e5: {  	v5 =	vld [tilespmem:s29+$0x30]  }
0x1e6: {  	v6 =	vld [tilespmem:s9+$0x10]  }
0x1e7: {  	s25 =	sor.u32 $0x50, s16;
	v7 =	vld [tilespmem:s2+$0x20]  }
0x1e8: {  	[tilespmem:s25+$0x0] =	vst.add.f32.msk $0xffff, v4  }
0x1e9: {  	s14 =	sor.u32 $0x30, s13;
	v4 =	vld [tilespmem:s31+$0x60]  }
0x1ea: {  	s25 =	sor.u32 $0x10, s19;
	[tilespmem:s14+$0x0] =	vst.add.f32.msk $0xffff, v5  }
0x1eb: {  	[tilespmem:s25+$0x0] =	vst.add.f32.msk $0xffff, v6  }
0x1ec: {  	v5 =	vld [tilespmem:s29+$0x40]  }
0x1ed: {  	s25 =	sor.u32 $0x60, s16;
	v6 =	vld [tilespmem:s9+$0x20]  }
0x1ee: {  	[tilespmem:s25+$0x0] =	vst.add.f32.msk $0xffff, v4  }
0x1ef: {  	s17 =	sor.u32 $0x20, s30;
	v4 =	vld [tilespmem:s31+$0x70]  }
0x1f0: {  	s7 =	sor.u32 $0x40, s13;
	[tilespmem:s17+$0x0] =	vst.add.f32.msk $0xffff, v7  }
0x1f1: {  	[tilespmem:s7+$0x0] =	vst.add.f32.msk $0xffff, v5  }
0x1f2: {  	s17 =	sor.u32 $0x20, s19;
	v5 =	vld [tilespmem:s29+$0x50]  }
0x1f3: {  	[tilespmem:s17+$0x0] =	vst.add.f32.msk $0xffff, v6;
	s17 =	sor.u32 $0x70, s16  }
0x1f4: {  	[tilespmem:s17+$0x0] =	vst.add.f32.msk $0xffff, v4  }
0x1f5: {  	v4 =	vld [tilespmem:s2+$0x30]  }
0x1f6: {  	s25 =	sor.u32 $0x50, s13;
	v6 =	vld [tilespmem:s9+$0x30]  }
0x1f7: {  	s31 =	rddreg [dreg:$0x7];
	s17 =	smov.u32 s0;
	[tilespmem:s25+$0x0] =	vst.add.f32.msk $0xffff, v5  }
0x1f8: {  	[dreg:$0x7] =	wrdreg s17;
	s17 =	sor.u32 $0x40, s1;
	v5 =	vld [tilespmem:s29+$0x60]  }
0x1f9: {  	s28 =	sor.u32 $0x30, s30;
	[tilespmem:s17+$0x0] =	vst.add.f32.msk $0xffff, v3  }
0x1fa: {  	[tilespmem:s28+$0x0] =	vst.add.f32.msk $0xffff, v4  }
0x1fb: {  	s17 =	sor.u32 $0x30, s19;
	v3 =	vld [tilespmem:s2+$0x40]  }
0x1fc: {  	s25 =	sor.u32 $0x60, s13;
	[tilespmem:s17+$0x0] =	vst.add.f32.msk $0xffff, v6  }
0x1fd: {  	[tilespmem:s25+$0x0] =	vst.add.f32.msk $0xffff, v5  }
0x1fe: {  	v4 =	vld [tilespmem:s29+$0x70]  }
0x1ff: {  	s14 =	sor.u32 $0x40, s30;
	v5 =	vld [tilespmem:s9+$0x40]  }
0x200: {  	[tilespmem:s14+$0x0] =	vst.add.f32.msk $0xffff, v3  }
0x201: {  	v3 =	vld [tilespmem:s2+$0x50]  }
0x202: {  	s25 =	sor.u32 $0x70, s13;
	v6 =	vld [tilespmem:s3+$0x50]  }
0x203: {  	[tilespmem:s25+$0x0] =	vst.add.f32.msk $0xffff, v4  }
0x204: {  	s25 =	sor.u32 $0x40, s19;
	v4 =	vld [tilespmem:s29+$0x400]  }
0x205: {  	s7 =	sor.u32 $0x50, s30;
	[tilespmem:s25+$0x0] =	vst.add.f32.msk $0xffff, v5  }
0x206: {  	[tilespmem:s7+$0x0] =	vst.add.f32.msk $0xffff, v3  }
0x207: {  	v3 =	vld [tilespmem:s2+$0x60]  }
0x208: {  	s25 =	sor.u32 $0x50, s1;
	v5 =	vld [tilespmem:s9+$0x50]  }
0x209: {  	[tilespmem:s25+$0x0] =	vst.add.f32.msk $0xffff, v6  }
0x20a: {  	[tilespmem:s13+$0x400] =	vst.add.f32.msk $0xffff, v4  }
0x20b: {  	s0 =	sor.u32 $0x60, s30;
	v4 =	vld [tilespmem:s29+$0x410]  }
0x20c: {  	[tilespmem:s0+$0x0] =	vst.add.f32.msk $0xffff, v3  }
0x20d: {  	s14 =	sor.u32 $0x50, s19;
	v3 =	vld [tilespmem:s2+$0x70]  }
0x20e: {  	[tilespmem:s14+$0x0] =	vst.add.f32.msk $0xffff, v5  }
0x20f: {  	v5 =	vld [tilespmem:s3+$0x60]  }
0x210: {  	[tilespmem:s13+$0x410] =	vst.add.f32.msk $0xffff, v4  }
0x211: {  	s17 =	sor.u32 $0x70, s30;
	v4 =	vld [tilespmem:s29+$0x420]  }
0x212: {  	[tilespmem:s17+$0x0] =	vst.add.f32.msk $0xffff, v3  }
0x213: {  	v3 =	vld [tilespmem:s2+$0x400]  }
0x214: {  	s25 =	sor.u32 $0x60, s1;
	v6 =	vld [tilespmem:s9+$0x60]  }
0x215: {  	[tilespmem:s25+$0x0] =	vst.add.f32.msk $0xffff, v5  }
0x216: {  	[tilespmem:s13+$0x420] =	vst.add.f32.msk $0xffff, v4  }
0x217: {  	v4 =	vld [tilespmem:s3+$0x70]  }
0x218: {  	[tilespmem:s30+$0x400] =	vst.add.f32.msk $0xffff, v3  }
0x219: {  	v3 =	vld [tilespmem:s2+$0x410]  }
0x21a: {  	s3 =	sor.u32 $0x60, s19;
	v5 =	vld [tilespmem:s29+$0x430]  }
0x21b: {  	s7 =	sor.u32 $0x70, s1;
	[tilespmem:s3+$0x0] =	vst.add.f32.msk $0xffff, v6  }
0x21c: {  	s16 =	smov.u32 s31;
	s31 =	sadd.s32 s11, s22;
	[tilespmem:s7+$0x0] =	vst.add.f32.msk $0xffff, v4  }
0x21d: {  	v4 =	vld [tilespmem:s31+$0x0]  }
0x21e: {  	[tilespmem:s30+$0x410] =	vst.add.f32.msk $0xffff, v3  }
0x21f: {  	v3 =	vld [tilespmem:s2+$0x420]  }
0x220: {  	[tilespmem:s13+$0x430] =	vst.add.f32.msk $0xffff, v5  }
0x221: {  	v5 =	vld [tilespmem:s29+$0x440]  }
0x222: {  	[tilespmem:s20+$0x0] =	vst.add.f32.msk $0xffff, v4  }
0x223: {  	v4 =	vld [tilespmem:s31+$0x10]  }
0x224: {  	[tilespmem:s30+$0x420] =	vst.add.f32.msk $0xffff, v3  }
0x225: {  	v3 =	vld [tilespmem:s2+$0x430]  }
0x226: {  	s8 =	sadd.s32 $0xD200, s4;
	[tilespmem:s13+$0x440] =	vst.add.f32.msk $0xffff, v5  }
0x227: {  	s22 =	smov.u32 s8;
	s8 =	sor.u32 $0x10, s20;
	v5 =	vld [tilespmem:s29+$0x450]  }
0x228: {  	[tilespmem:s8+$0x0] =	vst.add.f32.msk $0xffff, v4  }
0x229: {  	v4 =	vld [tilespmem:s31+$0x20]  }
0x22a: {  	[tilespmem:s30+$0x430] =	vst.add.f32.msk $0xffff, v3  }
0x22b: {  	v3 =	vld [tilespmem:s2+$0x440]  }
0x22c: {  	[tilespmem:s13+$0x450] =	vst.add.f32.msk $0xffff, v5  }
0x22d: {  	s14 =	sor.u32 $0x20, s20;
	v5 =	vld [tilespmem:s29+$0x460]  }
0x22e: {  	[tilespmem:s14+$0x0] =	vst.add.f32.msk $0xffff, v4  }
0x22f: {  	v4 =	vld [tilespmem:s31+$0x30]  }
0x230: {  	[tilespmem:s30+$0x440] =	vst.add.f32.msk $0xffff, v3  }
0x231: {  	v3 =	vld [tilespmem:s2+$0x450]  }
0x232: {  	[tilespmem:s13+$0x460] =	vst.add.f32.msk $0xffff, v5  }
0x233: {  	s17 =	sor.u32 $0x30, s20;
	v5 =	vld [tilespmem:s29+$0x470]  }
0x234: {  	[tilespmem:s17+$0x0] =	vst.add.f32.msk $0xffff, v4  }
0x235: {  	v4 =	vld [tilespmem:s31+$0x40]  }
0x236: {  	[tilespmem:s30+$0x450] =	vst.add.f32.msk $0xffff, v3  }
0x237: {  	s10 =	sadd.s32 $0xCA00, s4;
	v3 =	vld [tilespmem:s2+$0x460]  }
0x238: {  	s1 =	sadd.s32 s24, s10;
	[tilespmem:s13+$0x470] =	vst.add.f32.msk $0xffff, v5  }
0x239: {  	s25 =	sor.u32 $0x40, s20;
	v5 =	vld [tilespmem:s1+$0x0]  }
0x23a: {  	[tilespmem:s25+$0x0] =	vst.add.f32.msk $0xffff, v4  }
0x23b: {  	v4 =	vld [tilespmem:s31+$0x50]  }
0x23c: {  	[tilespmem:s30+$0x460] =	vst.add.f32.msk $0xffff, v3  }
0x23d: {  	s26 =	sadd.s32 s24, s12;
	v3 =	vld [tilespmem:s2+$0x470]  }
0x23e: {  	[tilespmem:s26+$0x0] =	vst.add.f32.msk $0xffff, v5  }
0x23f: {  	s29 =	sor.u32 $0x50, s20;
	v5 =	vld [tilespmem:s1+$0x10]  }
0x240: {  	[tilespmem:s29+$0x0] =	vst.add.f32.msk $0xffff, v4  }
0x241: {  	v4 =	vld [tilespmem:s31+$0x60]  }
0x242: {  	s3 =	sadd.s32 s5, s10;
	[tilespmem:s30+$0x470] =	vst.add.f32.msk $0xffff, v3  }
0x243: {  	s2 =	sor.u32 $0x10, s26;
	v3 =	vld [tilespmem:s3+$0x0]  }
0x244: {  	[tilespmem:s2+$0x0] =	vst.add.f32.msk $0xffff, v5  }
0x245: {  	s7 =	sor.u32 $0x60, s20;
	v5 =	vld [tilespmem:s1+$0x20]  }
0x246: {  	[tilespmem:s7+$0x0] =	vst.add.f32.msk $0xffff, v4  }
0x247: {  	s12 =	sadd.s32 s5, s12;
	v4 =	vld [tilespmem:s31+$0x70]  }
0x248: {  	[tilespmem:s12+$0x0] =	vst.add.f32.msk $0xffff, v3  }
0x249: {  	s8 =	sor.u32 $0x20, s26;
	v3 =	vld [tilespmem:s3+$0x10]  }
0x24a: {  	s10 =	rddreg [dreg:$0xe];
	[tilespmem:s8+$0x0] =	vst.add.f32.msk $0xffff, v5  }
0x24b: {  	s13 =	sor.u32 $0x70, s20;
	s2 =	sadd.s32 $0xD600, s10;
	v5 =	vld [tilespmem:s1+$0x30]  }
0x24c: {  	s25 =	smov.u32 s4;
	s4 =	sadd.s32 s11, s2;
	[tilespmem:s13+$0x0] =	vst.add.f32.msk $0xffff, v4  }
0x24d: {  	s14 =	sor.u32 $0x10, s12;
	v4 =	vld [tilespmem:s4+$0x0]  }
0x24e: {  	[tilespmem:s14+$0x0] =	vst.add.f32.msk $0xffff, v3  }
0x24f: {  	s17 =	sor.u32 $0x30, s26;
	v3 =	vld [tilespmem:s3+$0x20]  }
0x250: {  	[tilespmem:s17+$0x0] =	vst.add.f32.msk $0xffff, v5  }
0x251: {  	v5 =	vld [tilespmem:s1+$0x40]  }
0x252: {  	[tilespmem:s18+$0x0] =	vst.add.f32.msk $0xffff, v4  }
0x253: {  	s29 =	sor.u32 $0x20, s12;
	v4 =	vld [tilespmem:s4+$0x10]  }
0x254: {  	[tilespmem:s29+$0x0] =	vst.add.f32.msk $0xffff, v3  }
0x255: {  	s30 =	sor.u32 $0x40, s26;
	v3 =	vld [tilespmem:s3+$0x30]  }
0x256: {  	[tilespmem:s30+$0x0] =	vst.add.f32.msk $0xffff, v5  }
0x257: {  	s28 =	smov.u32 s5;
	s5 =	sor.u32 $0x10, s18;
	v5 =	vld [tilespmem:s1+$0x50]  }
0x258: {  	[tilespmem:s5+$0x0] =	vst.add.f32.msk $0xffff, v4  }
0x259: {  	s20 =	smov.u32 s6;
	s6 =	sor.u32 $0x30, s12;
	v4 =	vld [tilespmem:s9+$0x70]  }
0x25a: {  	[tilespmem:s6+$0x0] =	vst.add.f32.msk $0xffff, v3  }
0x25b: {  	s7 =	sor.u32 $0x50, s26;
	v3 =	vld [tilespmem:s3+$0x40]  }
0x25c: {  	[tilespmem:s7+$0x0] =	vst.add.f32.msk $0xffff, v5  }
0x25d: {  	v6 =	vld [tilespmem:s4+$0x20]  }
0x25e: {  	s8 =	sor.u32 $0x70, s19;
	v5 =	vld [tilespmem:s1+$0x60]  }
0x25f: {  	s10 =	sor.u32 $0x40, s12;
	[tilespmem:s8+$0x0] =	vst.add.f32.msk $0xffff, v4  }
0x260: {  	[tilespmem:s10+$0x0] =	vst.add.f32.msk $0xffff, v3  }
0x261: {  	s11 =	sor.u32 $0x20, s18;
	v3 =	vld [tilespmem:s3+$0x50]  }
0x262: {  	[tilespmem:s11+$0x0] =	vst.add.f32.msk $0xffff, v6  }
0x263: {  	s13 =	sor.u32 $0x60, s26;
	v4 =	vld [tilespmem:s4+$0x30]  }
0x264: {  	[tilespmem:s13+$0x0] =	vst.add.f32.msk $0xffff, v5  }
0x265: {  	s14 =	sor.u32 $0x50, s12;
	v5 =	vld [tilespmem:s1+$0x70]  }
0x266: {  	[tilespmem:s14+$0x0] =	vst.add.f32.msk $0xffff, v3  }
0x267: {  	s17 =	sor.u32 $0x30, s18;
	v3 =	vld [tilespmem:s3+$0x60]  }
0x268: {  	s30 =	rddreg [dreg:$0xa];
	[tilespmem:s17+$0x0] =	vst.add.f32.msk $0xffff, v4  }
0x269: {  	s29 =	sor.u32 $0x70, s26;
	s9 =	rddreg [dreg:$0xd];
	v4 =	vld [tilespmem:s4+$0x40]  }
0x26a: {  	s19 =	smov.u32 s9;
	s9 =	sadd.s32 s24, s30;
	[tilespmem:s29+$0x0] =	vst.add.f32.msk $0xffff, v5  }
0x26b: {  	s6 =	sor.u32 $0x60, s12;
	v5 =	vld [tilespmem:s9+$0x0]  }
0x26c: {  	[tilespmem:s6+$0x0] =	vst.add.f32.msk $0xffff, v3  }
0x26d: {  	s7 =	sor.u32 $0x40, s18;
	v3 =	vld [tilespmem:s3+$0x70]  }
0x26e: {  	[tilespmem:s7+$0x0] =	vst.add.f32.msk $0xffff, v4  }
0x26f: {  	v4 =	vld [tilespmem:s4+$0x50]  }
0x270: {  	[tilespmem:s21+$0x0] =	vst.add.f32.msk $0xffff, v5  }
0x271: {  	s8 =	sor.u32 $0x70, s12;
	v5 =	vld [tilespmem:s9+$0x10]  }
0x272: {  	s3 =	sadd.s32 s28, s30;
	[tilespmem:s8+$0x0] =	vst.add.f32.msk $0xffff, v3  }
0x273: {  	s10 =	sor.u32 $0x50, s18;
	v3 =	vld [tilespmem:s3+$0x0]  }
0x274: {  	[tilespmem:s10+$0x0] =	vst.add.f32.msk $0xffff, v4  }
0x275: {  	s11 =	sor.u32 $0x10, s21;
	v4 =	vld [tilespmem:s4+$0x60]  }
0x276: {  	s12 =	rddreg [dreg:$0x9];
	[tilespmem:s11+$0x0] =	vst.add.f32.msk $0xffff, v5  }
0x277: {  	s1 =	sadd.s32 s28, s12;
	v5 =	vld [tilespmem:s9+$0x20]  }
0x278: {  	[tilespmem:s1+$0x0] =	vst.add.f32.msk $0xffff, v3  }
0x279: {  	s13 =	sor.u32 $0x60, s18;
	v6 =	vld [tilespmem:s3+$0x10]  }
0x27a: {  	[tilespmem:s13+$0x0] =	vst.add.f32.msk $0xffff, v4  }
0x27b: {  	p1 =	slt.u32 s23, $0x1E;
	s14 =	sor.u32 $0x20, s21;
	v7 =	vld [tilespmem:s4+$0x70]  }
.Ltmp1:
0x27c: {  	[tilespmem:s14+$0x0] =	vst.add.f32.msk $0xffff, v5;
	(pc) =	sbr.rel @p1 .LBB2_5-.Ltmp1, $4  }
0x27d: {  	s5 =	rddreg [dreg:$0xc];
	s17 =	sor.u32 $0x10, s1;
	v3 =	vld [tilespmem:s9+$0x30]  }
0x27e: {  	s29 =	rddreg [dreg:$0x8];
	[tilespmem:s17+$0x0] =	vst.add.f32.msk $0xffff, v6  }
0x27f: {  	s23 =	sadd.s32 $0x2, s23;
	s26 =	sor.u32 $0x70, s18;
	s30 =	rddreg [dreg:$0xb];
	v4 =	vld [tilespmem:s3+$0x20]  }
0x280: {  	s18 =	smov.u32 s29;
	s7 =	smov.u32 s24;
	s31 =	sadd.s32 s30, s2;
	[tilespmem:s26+$0x0] =	vst.add.f32.msk $0xffff, v7  }
0x281: {  	_ =	sdelay $0x1  }
0x282: {  	s0 =	sor.u32 $0x20, s1  }
0x283: {  	[tilespmem:s0+$0x0] =	vst.add.f32.msk $0xffff, v4  }
0x284: {  	v4 =	vld [tilespmem:s3+$0x30];
	_ =	sdelay $0x3  }
0x285: {  	s17 =	sor.u32 $0x30, s1  }
0x286: {  	[tilespmem:s17+$0x0] =	vst.add.f32.msk $0xffff, v4  }
0x287: {  	v4 =	vld [tilespmem:s3+$0x40]  }
0x288: {  	[tilespmem:s5+$0x0] =	vst.add.f32.msk $0xffff, v3  }
0x289: {  	v3 =	vld [tilespmem:s9+$0x40];
	_ =	sdelay $0x1  }
0x28a: {  	s23 =	sor.u32 $0x40, s1  }
0x28b: {  	[tilespmem:s23+$0x0] =	vst.add.f32.msk $0xffff, v4  }
0x28c: {  	s24 =	sor.u32 $0x40, s21;
	v4 =	vld [tilespmem:s3+$0x50]  }
0x28d: {  	[tilespmem:s24+$0x0] =	vst.add.f32.msk $0xffff, v3  }
0x28e: {  	v3 =	vld [tilespmem:s9+$0x50];
	_ =	sdelay $0x1  }
0x28f: {  	s26 =	sor.u32 $0x50, s1  }
0x290: {  	[tilespmem:s26+$0x0] =	vst.add.f32.msk $0xffff, v4  }
0x291: {  	s29 =	sor.u32 $0x50, s21;
	v4 =	vld [tilespmem:s3+$0x60]  }
0x292: {  	[tilespmem:s29+$0x0] =	vst.add.f32.msk $0xffff, v3  }
0x293: {  	v3 =	vld [tilespmem:s9+$0x60];
	_ =	sdelay $0x1  }
0x294: {  	s30 =	sor.u32 $0x60, s1  }
0x295: {  	[tilespmem:s30+$0x0] =	vst.add.f32.msk $0xffff, v4  }
0x296: {  	s2 =	sor.u32 $0x60, s21;
	v4 =	vld [tilespmem:s3+$0x70]  }
0x297: {  	[tilespmem:s2+$0x0] =	vst.add.f32.msk $0xffff, v3  }
0x298: {  	v3 =	vld [tilespmem:s9+$0x70];
	_ =	sdelay $0x1  }
0x299: {  	s4 =	sor.u32 $0x70, s1  }
0x29a: {  	s5 =	sadd.s32 s28, s22;
	[tilespmem:s4+$0x0] =	vst.add.f32.msk $0xffff, v4  }
0x29b: {  	s6 =	sor.u32 $0x70, s21;
	v4 =	vld [tilespmem:s5+$0x0]  }
0x29c: {  	s8 =	sadd.s32 s7, s22;
	[tilespmem:s6+$0x0] =	vst.add.f32.msk $0xffff, v3  }
0x29d: {  	v3 =	vld [tilespmem:s8+$0x0];
	_ =	sdelay $0x2  }
0x29e: {  	[tilespmem:s20+$0x0] =	vst.add.f32.msk $0xffff, v4  }
0x29f: {  	v4 =	vld [tilespmem:s5+$0x10]  }
0x2a0: {  	[tilespmem:s19+$0x0] =	vst.add.f32.msk $0xffff, v3  }
0x2a1: {  	v3 =	vld [tilespmem:s8+$0x10];
	_ =	sdelay $0x1  }
0x2a2: {  	s2 =	sor.u32 $0x10, s20  }
0x2a3: {  	[tilespmem:s2+$0x0] =	vst.add.f32.msk $0xffff, v4  }
0x2a4: {  	s9 =	sor.u32 $0x10, s19;
	v4 =	vld [tilespmem:s5+$0x20]  }
0x2a5: {  	[tilespmem:s9+$0x0] =	vst.add.f32.msk $0xffff, v3  }
0x2a6: {  	v3 =	vld [tilespmem:s8+$0x20];
	_ =	sdelay $0x1  }
0x2a7: {  	s10 =	sor.u32 $0x20, s20  }
0x2a8: {  	[tilespmem:s10+$0x0] =	vst.add.f32.msk $0xffff, v4  }
0x2a9: {  	s11 =	sor.u32 $0x20, s19;
	v4 =	vld [tilespmem:s5+$0x30]  }
0x2aa: {  	[tilespmem:s11+$0x0] =	vst.add.f32.msk $0xffff, v3  }
0x2ab: {  	v3 =	vld [tilespmem:s8+$0x30];
	_ =	sdelay $0x1  }
0x2ac: {  	s12 =	sor.u32 $0x30, s20  }
0x2ad: {  	[tilespmem:s12+$0x0] =	vst.add.f32.msk $0xffff, v4  }
0x2ae: {  	s13 =	sor.u32 $0x30, s19;
	v4 =	vld [tilespmem:s5+$0x40]  }
0x2af: {  	[tilespmem:s13+$0x0] =	vst.add.f32.msk $0xffff, v3  }
0x2b0: {  	v3 =	vld [tilespmem:s8+$0x40];
	_ =	sdelay $0x1  }
0x2b1: {  	s14 =	sor.u32 $0x40, s20  }
0x2b2: {  	[tilespmem:s14+$0x0] =	vst.add.f32.msk $0xffff, v4  }
0x2b3: {  	s15 =	sor.u32 $0x40, s19;
	v4 =	vld [tilespmem:s5+$0x50]  }
0x2b4: {  	[tilespmem:s15+$0x0] =	vst.add.f32.msk $0xffff, v3  }
0x2b5: {  	v3 =	vld [tilespmem:s8+$0x50];
	_ =	sdelay $0x1  }
0x2b6: {  	s17 =	sor.u32 $0x50, s20  }
0x2b7: {  	[tilespmem:s17+$0x0] =	vst.add.f32.msk $0xffff, v4  }
0x2b8: {  	s21 =	sor.u32 $0x50, s19;
	v4 =	vld [tilespmem:s5+$0x60]  }
0x2b9: {  	[tilespmem:s21+$0x0] =	vst.add.f32.msk $0xffff, v3  }
0x2ba: {  	v3 =	vld [tilespmem:s8+$0x60];
	_ =	sdelay $0x1  }
0x2bb: {  	s22 =	sor.u32 $0x60, s20  }
0x2bc: {  	[tilespmem:s22+$0x0] =	vst.add.f32.msk $0xffff, v4  }
0x2bd: {  	s23 =	sor.u32 $0x60, s19;
	v4 =	vld [tilespmem:s5+$0x70]  }
0x2be: {  	[tilespmem:s23+$0x0] =	vst.add.f32.msk $0xffff, v3  }
0x2bf: {  	v3 =	vld [tilespmem:s8+$0x70];
	_ =	sdelay $0x1  }
0x2c0: {  	v5 =	vld [tilespmem:s31+$0x0];
	s24 =	sadd.s32 $0xD600, s25;
	s25 =	sor.u32 $0x70, s20  }
0x2c1: {  	s26 =	sadd.s32 s28, s24;
	[tilespmem:s25+$0x0] =	vst.add.f32.msk $0xffff, v4  }
0x2c2: {  	s28 =	sor.u32 $0x70, s19;
	v4 =	vld [tilespmem:s26+$0x0]  }
0x2c3: {  	s0 =	sadd.s32 s7, s24;
	[tilespmem:s28+$0x0] =	vst.add.f32.msk $0xffff, v3  }
0x2c4: {  	v3 =	vld [tilespmem:s0+$0x0]  }
0x2c5: {  	[tilespmem:s16+$0x0] =	vst.add.f32.msk $0xffff, v5  }
0x2c6: {  	v5 =	vld [tilespmem:s31+$0x10]  }
0x2c7: {  	[tilespmem:s18+$0x0] =	vst.add.f32.msk $0xffff, v4  }
0x2c8: {  	v4 =	vld [tilespmem:s26+$0x10];
	s5 =	rddreg [dreg:$0x7]  }
0x2c9: {  	[tilespmem:s5+$0x0] =	vst.add.f32.msk $0xffff, v3  }
0x2ca: {  	s29 =	sor.u32 $0x10, s16;
	v3 =	vld [tilespmem:s0+$0x10]  }
0x2cb: {  	[tilespmem:s29+$0x0] =	vst.add.f32.msk $0xffff, v5  }
0x2cc: {  	s30 =	sor.u32 $0x10, s18;
	v5 =	vld [tilespmem:s31+$0x20]  }
0x2cd: {  	[tilespmem:s30+$0x0] =	vst.add.f32.msk $0xffff, v4  }
0x2ce: {  	s3 =	sor.u32 $0x10, s5;
	v4 =	vld [tilespmem:s26+$0x20]  }
0x2cf: {  	[tilespmem:s3+$0x0] =	vst.add.f32.msk $0xffff, v3  }
0x2d0: {  	s4 =	sor.u32 $0x20, s16;
	v3 =	vld [tilespmem:s0+$0x20]  }
0x2d1: {  	[tilespmem:s4+$0x0] =	vst.add.f32.msk $0xffff, v5  }
0x2d2: {  	s6 =	sor.u32 $0x20, s18;
	v5 =	vld [tilespmem:s31+$0x30]  }
0x2d3: {  	[tilespmem:s6+$0x0] =	vst.add.f32.msk $0xffff, v4  }
0x2d4: {  	s7 =	sor.u32 $0x20, s5;
	v4 =	vld [tilespmem:s26+$0x30]  }
0x2d5: {  	[tilespmem:s7+$0x0] =	vst.add.f32.msk $0xffff, v3  }
0x2d6: {  	s8 =	sor.u32 $0x30, s16;
	v3 =	vld [tilespmem:s0+$0x30]  }
0x2d7: {  	[tilespmem:s8+$0x0] =	vst.add.f32.msk $0xffff, v5  }
0x2d8: {  	s9 =	sor.u32 $0x30, s18;
	v5 =	vld [tilespmem:s31+$0x40]  }
0x2d9: {  	[tilespmem:s9+$0x0] =	vst.add.f32.msk $0xffff, v4  }
0x2da: {  	s10 =	sor.u32 $0x30, s5;
	v4 =	vld [tilespmem:s26+$0x40]  }
0x2db: {  	[tilespmem:s10+$0x0] =	vst.add.f32.msk $0xffff, v3  }
0x2dc: {  	s11 =	sor.u32 $0x40, s16;
	v3 =	vld [tilespmem:s0+$0x40]  }
0x2dd: {  	[tilespmem:s11+$0x0] =	vst.add.f32.msk $0xffff, v5  }
0x2de: {  	s12 =	sor.u32 $0x40, s18;
	v5 =	vld [tilespmem:s31+$0x50]  }
0x2df: {  	[tilespmem:s12+$0x0] =	vst.add.f32.msk $0xffff, v4  }
0x2e0: {  	s13 =	sor.u32 $0x40, s5;
	v4 =	vld [tilespmem:s26+$0x50]  }
0x2e1: {  	[tilespmem:s13+$0x0] =	vst.add.f32.msk $0xffff, v3  }
0x2e2: {  	s14 =	sor.u32 $0x50, s16;
	v3 =	vld [tilespmem:s0+$0x50]  }
0x2e3: {  	[tilespmem:s14+$0x0] =	vst.add.f32.msk $0xffff, v5  }
0x2e4: {  	s15 =	sor.u32 $0x50, s18;
	v5 =	vld [tilespmem:s31+$0x60]  }
0x2e5: {  	[tilespmem:s15+$0x0] =	vst.add.f32.msk $0xffff, v4  }
0x2e6: {  	s17 =	sor.u32 $0x50, s5;
	v4 =	vld [tilespmem:s26+$0x60]  }
0x2e7: {  	[tilespmem:s17+$0x0] =	vst.add.f32.msk $0xffff, v3  }
0x2e8: {  	s19 =	sor.u32 $0x60, s16;
	v3 =	vld [tilespmem:s0+$0x60]  }
0x2e9: {  	[tilespmem:s19+$0x0] =	vst.add.f32.msk $0xffff, v5  }
0x2ea: {  	s20 =	sor.u32 $0x60, s18;
	v5 =	vld [tilespmem:s31+$0x70]  }
0x2eb: {  	[tilespmem:s20+$0x0] =	vst.add.f32.msk $0xffff, v4  }
0x2ec: {  	s21 =	sor.u32 $0x60, s5;
	v4 =	vld [tilespmem:s26+$0x70]  }
0x2ed: {  	s2 =	rddreg [dreg:$0x19];
	[tilespmem:s21+$0x0] =	vst.add.f32.msk $0xffff, v3  }
0x2ee: {  	v3 =	vld [tilespmem:s0+$0x70]  }
0x2ef: {  	s1 =	rddreg [dreg:$0xf]  }
0x2f0: {  	s23 =	sor.u32 $0x70, s16;
	s22 =	rddreg [dreg:$0x18]  }
0x2f1: {  	s25 =	sor.u32 $0x70, s18;
	s4 =	rddreg [dreg:$0x17];
	[tilespmem:s23+$0x0] =	vst.add.f32.msk $0xffff, v5  }
0x2f2: {  	s26 =	sor.u32 $0x70, s5;
	[tilespmem:s25+$0x0] =	vst.add.f32.msk $0xffff, v4  }
0x2f3: {  	s2 =	sshll.u32 s2, $0x5;
	[tilespmem:s26+$0x0] =	vst.add.f32.msk $0xffff, v3  }
0x2f4: {  	s1 =	sadd.s32 s1, s2;
	s0 =	smul.u32 $0x300000, s22;
	s8 =	rddreg [dreg:$0x16]  }
0x2f5: {  	s24 =	smul.u32 $0x18000, s4;
	s1 =	sshrl.u32 s1, $0x3;
	s8 =	sadd.s32 $0x1, s8  }
0x2f6: {  	s1 =	smul.u32 $0x1800, s1;
	p1 =	sne.s32 s8, $0x10  }
.Ltmp2:
0x2f7: {  	_ = 	snop;
	(pc) =	sbr.rel @p1 .LBB2_2-.Ltmp2, $4  }
0x2f8: {  	p0 =	por !p0, !p0;
	s30 =	rddreg [dreg:$0x3];
	s0 =	sadd.s32 s0, s1  }
0x2f9: {  	s31 =	simm.s32 $0x0;
	s28 =	sshrl.u32 s24, $0x2;
	s0 =	sshrl.u32 s0, $0x3  }
0x2fa: {  	s29 =	sor.u32 $0x6, s4;
	s2 =	sor.u32 $0x200, s28;
	s0 =	sadd.s32 s30, s0  }
0x2fb: {  	[hbm4b:s0+s31] =	stream.linear.scatter [tilespmem:s2], [sflag:s29], $0x6000, $0x38;
	[tilespmem:$0x18200] =	vst v63  }
0x2fc: {  	s1 =	simm.s32 $0x7  }
0x2fd: {  	_ =	swait.ge [sflag:s1], $0x6000  }
0x2fe: {  	s2 =	rddreg [dreg:$0x15]  }
0x2ff: {  	s0 =	rddreg [dreg:$0x14];
	s2 =	sadd.s32 $0x1, s2  }
0x300: {  	p0 =	sne.s32 s2, s0  }
.Ltmp3:
0x301: {  	_ = 	snop;
	(pc) =	sbr.rel @p0 .LBB2_1-.Ltmp3, $3  }
0x302: {  	_ =	sdelay $0x1  }
0x303: {  	[sflag:s1] =	ssyncset.done $0x0  }
0x304: {  	[sflag:s1] =	ssyncadd.s32 $0xFFFFA000  }
0x305: {  	_ =	sfence.sel $0x180000  }
0x306: {  	[bflag:$0x0] =	sbarrier.arrive $0xFFFF  }
0x307: {  	_ =	strace $0x90000047  }
0x308: {  	s0 =	stileid.u32;
	[bflag:$0x2] =	sbarrier.arrive $0xFFFF  }
0x309: {  	p0 =	sne.s32 s0, $0x0;
	s0 =	rddreg [dreg:$0x4]  }
0x30a: {  	s0 =	sadd.s32 @!p0 $0x100000, s0  }
0x30b: {  	[sflag:s0] =	ssyncadd.tile.s32 @!p0 $0x1;
	_ =	shalt  }
.Lfunc_end2:
_tile_overlayer_lowered:
.L_overlay_start_2:
0x30c: {  	(tag) =	ssettag $0x2  }
0x30d: {  	s0 =	rddreg [dreg:$0x0];
	s2 =	stileid.u32  }
0x30e: {  	s1 =	rddreg [dreg:$0x1];
	p0 =	sne.s32 s2, $0x0  }
0x30f: {  	s3 =	rddreg [dreg:$0x2];
	[bflag:$0x3] =	sbarrier.arrive $0xFFFF;
	s2 =	simm.s32 @!p0 $0x1C08  }
0x310: {  	[timem:s3], [sflag:s2] =	dma.local @!p0 [hbm:s0], s1  }
0x311: {  	s0 =	simm.s32 @!p0 $0x8  }
0x312: {  	_ =	swait.ge @!p0 [sflag:s0], s1  }
0x313: {  	s1 =	ssub.s32 @!p0 $0x0, s1;
	[sflag:s0] =	ssyncset.done @!p0 $0x0  }
0x314: {  	[sflag:s0] =	ssyncadd.s32 @!p0 s1  }
0x315: {  	[bflag:$0x3] =	sbarrier.arrive $0xFFFF  }
0x316: {  	_ =	shalt  }

</sc_bundles>
